<compile_context>
chip_gen: v7x
topology: tpu7x:2x2x1
jax: 0.10.2.dev20260603
libtpu: 0.0.44.dev20260713+nightly
codegen_flags: <defaults>
</compile_context>

<pallas_src>
import functools

import jax
import jax.numpy as jnp
from jax import lax
from jax.experimental import pallas as pl
from jax.experimental.pallas import tpu as pltpu
from jax.experimental.pallas import tpu_sc as plsc

_GATHER_CHUNK = 128
_SEG_SIZES = (32768, 98304, 196608, 196608)
_ROW_BLOCK = 16384


def _sc_gather(table, ids3):
    NW, n_ch, CH = ids3.shape
    D = table.shape[1]
    B = NW * n_ch * CH
    b_per_w = n_ch * CH
    NC = 2

    mesh = plsc.VectorSubcoreMesh(core_axis_name="c", subcore_axis_name="s")

    @functools.partial(
        pl.kernel,
        mesh=mesh,
        out_type=jax.ShapeDtypeStruct((B, D), jnp.float32),
        scratch_types=[
            pltpu.VMEM((n_ch, CH), jnp.int32),
            pltpu.VMEM((CH, D), jnp.float32),
            pltpu.VMEM((CH, D), jnp.float32),
            pltpu.SemaphoreType.DMA,
            pltpu.SemaphoreType.DMA,
        ],
    )
    def gather_kernel(table_hbm, idx_hbm, out_hbm, idx_v, rows_a, rows_b,
                      sem_a, sem_b):
        wid = lax.axis_index("s") * NC + lax.axis_index("c")
        base = wid * b_per_w
        pltpu.sync_copy(idx_hbm.at[wid], idx_v)

        bufs = (rows_a, rows_b)
        sems = (sem_a, sem_b)
        pltpu.async_copy(table_hbm.at[idx_v.at[0]], rows_a, sem_a)
        pltpu.async_copy(table_hbm.at[idx_v.at[1]], rows_b, sem_b)

        def body(i, carry):
            j0 = i * 2
            for b in range(2):
                j = j0 + b
                pltpu.make_async_copy(table_hbm.at[idx_v.at[j]], bufs[b],
                                      sems[b]).wait()
                pltpu.sync_copy(bufs[b], out_hbm.at[pl.ds(base + j * CH, CH)])

                @pl.when(j + 2 < n_ch)
                def _():
                    pltpu.async_copy(table_hbm.at[idx_v.at[j + 2]], bufs[b],
                                     sems[b])
            return carry

        lax.fori_loop(0, n_ch // 2, body, 0)

    return gather_kernel(table, ids3)


def _tc_mlp(xT, emb, W1x, W1e, b1, W2, b2, W3, b3, W4, b4, W5, b5):
    N = xT.shape[1]
    R = _ROW_BLOCK
    grid = (N // R,)

    bf = jnp.bfloat16

    def body(x_ref, e_ref, w1x, w1e, bb1, w2, bb2, w3, bb3, w4, bb4, w5, bb5,
             out_ref):
        f32 = jnp.float32
        hx = lax.dot_general(x_ref[...].astype(bf), w1x[...],
                             (((0,), (0,)), ((), ())),
                             preferred_element_type=f32)
        h = hx + jnp.dot(e_ref[...].astype(bf), w1e[...],
                         preferred_element_type=f32)
        h = jnp.maximum(h.astype(bf) + bb1[...], 0.0)
        h = jnp.maximum(
            jnp.dot(h, w2[...], preferred_element_type=f32).astype(bf)
            + bb2[...], 0.0)
        h = jnp.maximum(
            jnp.dot(h, w3[...], preferred_element_type=f32).astype(bf)
            + bb3[...], 0.0)
        h = jnp.maximum(
            jnp.dot(h, w4[...], preferred_element_type=f32).astype(bf)
            + bb4[...], 0.0)
        o = lax.dot_general(w5[...], h, (((0,), (1,)), ((), ())),
                            preferred_element_type=jnp.float32) + bb5[...]
        out_ref[...] = jax.nn.sigmoid(o)

    full = lambda shape: pl.BlockSpec(shape, lambda i: (0,) * len(shape))
    return pl.pallas_call(
        body,
        grid=grid,
        in_specs=[
            pl.BlockSpec((xT.shape[0], R), lambda i: (0, i)),
            pl.BlockSpec((R, emb.shape[1]), lambda i: (i, 0)),
            full(W1x.shape), full(W1e.shape), full(b1.shape),
            full(W2.shape), full(b2.shape),
            full(W3.shape), full(b3.shape),
            full(W4.shape), full(b4.shape),
            full(W5.shape), full(b5.shape),
        ],
        out_specs=pl.BlockSpec((W5.shape[1], R), lambda i: (0, i)),
        out_shape=jax.ShapeDtypeStruct((W5.shape[1], N), jnp.float32),
    )(xT, emb, W1x, W1e, b1, W2, b2, W3, b3, W4, b4, W5, b5)


def kernel(x, emb_id, table, W1, b1, W2, b2, W3, b3, W4, b4, W5, b5):
    N = x.shape[0]
    NW = 32
    CH = _GATHER_CHUNK
    D = table.shape[1]
    DP = 128

    ids = emb_id.astype(jnp.int32)
    table_p = jnp.pad(table, ((0, 0), (0, DP - D)))

    bf = jnp.bfloat16
    W1x = W1[: x.shape[1]].astype(bf)
    W1e = jnp.pad(W1[x.shape[1]:], ((0, DP - D), (0, 0))).astype(bf)
    b2d = lambda b: b.reshape(1, -1)
    bb = lambda b: b2d(b).astype(bf)
    args = (W1x, W1e, bb(b1), W2.astype(bf), bb(b2), W3.astype(bf), bb(b3),
            W4.astype(bf), bb(b4), W5.astype(bf), b5.reshape(-1, 1))

    xT = x.T
    outs = []
    off = 0
    for seg in _SEG_SIZES:
        n_ch = seg // (NW * CH)
        ids3 = lax.slice(ids, (off,), (off + seg,)).reshape(NW, n_ch, CH)
        emb_s = _sc_gather(table_p, ids3)
        outs.append(_tc_mlp(lax.slice(xT, (0, off), (2, off + seg)),
                            emb_s, *args))
        off += seg

    out = jnp.zeros((W5.shape[1], N), jnp.float32)
    off = 0
    for seg, o in zip(_SEG_SIZES, outs):
        out = lax.dynamic_update_slice(out, o, (0, off))
        off += seg
    return out.T

# --- scband reference (transcript-rebuilt; emitter-appended) ---
"""Pipeline reference for scband-env-net-22668837388847 (READ-ONLY COPY).

The authoritative reference and input builder live on the scoring server;
editing this copy changes nothing except your own understanding.
"""

import jax, jax.numpy as jnp
import numpy as np

N = 524288
N_EMB = 1024
DIM_EMB = 64
W = 256
IN_CH_UV = 2


def setup_inputs(seed: int = 0) -> dict:
    key = jax.random.key(seed)
    ks = jax.random.split(key, 16)
    x = jax.random.normal(ks[0], (N, IN_CH_UV), dtype=jnp.float32)
    emb_id = jax.random.randint(ks[1], (N,), 0, N_EMB)
    table = jax.random.normal(ks[2], (N_EMB, DIM_EMB), dtype=jnp.float32) * 0.02
    in_dim = IN_CH_UV + DIM_EMB
    def lin(k, fan_in, fan_out):
        bound = 1.0 / np.sqrt(fan_in)
        return jax.random.uniform(k, (fan_in, fan_out), dtype=jnp.float32, minval=-bound, maxval=bound)
    W1 = lin(ks[3], in_dim, W); b1 = jnp.zeros((W,), dtype=jnp.float32)
    W2 = lin(ks[4], W, W); b2 = jnp.zeros((W,), dtype=jnp.float32)
    W3 = lin(ks[5], W, W); b3 = jnp.zeros((W,), dtype=jnp.float32)
    W4 = lin(ks[6], W, W); b4 = jnp.zeros((W,), dtype=jnp.float32)
    W5 = lin(ks[7], W, 3); b5 = jnp.zeros((3,), dtype=jnp.float32)
    return {"x": x, "emb_id": emb_id, "table": table,
            "W1": W1, "b1": b1, "W2": W2, "b2": b2, "W3": W3, "b3": b3,
            "W4": W4, "b4": b4, "W5": W5, "b5": b5}


def reference(x, emb_id, table, W1, b1, W2, b2, W3, b3, W4, b4, W5, b5):
    emb = jnp.take(table, emb_id, axis=0)
    h = jnp.concatenate([x, emb], axis=-1)
    h = jax.nn.relu(h @ W1 + b1)
    h = jax.nn.relu(h @ W2 + b2)
    h = jax.nn.relu(h @ W3 + b3)
    h = jax.nn.relu(h @ W4 + b4)
    out = jax.nn.sigmoid(h @ W5 + b5)
    return out

if __name__ == "__main__":
    import jax
    _d = setup_inputs()
    print(jax.jit(kernel)(*tuple(_d.values())))

</pallas_src>

<mosaic_0001>
#map = affine_map<(d0, d1) -> (0, 0)>
#map1 = affine_map<(d0, d1) -> (0, 0, 0)>
module attributes {stable_mosaic.version = 14 : i64} {
  func.func @gather_kernel(%arg0: i32, %arg1: i32, %arg2: memref<1024x128xf32, #tpu.memory_space<hbm>>, %arg3: memref<32x48x128xi32, #tpu.memory_space<hbm>>, %arg4: memref<196608x128xf32, #tpu.memory_space<hbm>>, %arg5: memref<48x128xi32, #tpu.memory_space<vmem>>, %arg6: memref<128x128xf32, #tpu.memory_space<vmem>>, %arg7: memref<128x128xf32, #tpu.memory_space<vmem>>, %arg8: memref<!tpu.dma_semaphore, #tpu.memory_space<semaphore_mem>>, %arg9: memref<!tpu.dma_semaphore, #tpu.memory_space<semaphore_mem>>) attributes {dimension_semantics = [#tpu.dimension_semantics<core_parallel>, #tpu.dimension_semantics<subcore_parallel>], iteration_bounds = array<i64: 2, 16>, scalar_prefetch = 0 : i64, scratch_operands = 5 : i64, tpu.core_type = #tpu.core_type<sc_vector_subcore>, window_params = [{transform_indices = #map}, {transform_indices = #map1}, {transform_indices = #map}]} {
    %mul3A = arith.constant 2 : i32
    %mul3A_0 = arith.muli %arg1, %mul3A : i32
    %add3A = arith.addi %mul3A_0, %arg0 : i32
    %mul3A_1 = arith.constant 6144 : i32
    %mul3A_2 = arith.muli %add3A, %mul3A_1 : i32
    "tpu.region"() ({
      %run_scoped3A = tpu.sem_alloc : memref<!tpu.dma_semaphore, #tpu.memory_space<semaphore_mem>>
      %dma_start3A_21 = arith.constant 0 : i32
      %dma_start3A_22 = arith.constant 0 : i32
      %dma_start3A_23 = tpu.memref_slice %arg3[%add3A, %dma_start3A_21, %dma_start3A_22] : memref<32x48x128xi32, #tpu.memory_space<hbm>> -> memref<1x48x128xi32, #tpu.memory_space<hbm>>
      %dma_start3A_24 = tpu.memref_squeeze %dma_start3A_23 : memref<1x48x128xi32, #tpu.memory_space<hbm>> -> memref<48x128xi32, #tpu.memory_space<hbm>>
      %dma_start3A_25 = arith.constant 0 : i32
      %dma_start3A_26 = arith.constant 0 : i32
      %dma_start3A_27 = tpu.memref_slice %arg3[%add3A, %dma_start3A_25, %dma_start3A_26] : memref<32x48x128xi32, #tpu.memory_space<hbm>> -> memref<1x48x128xi32, #tpu.memory_space<hbm>>
      %dma_start3A_28 = tpu.memref_squeeze %dma_start3A_27 : memref<1x48x128xi32, #tpu.memory_space<hbm>> -> memref<48x128xi32, #tpu.memory_space<hbm>>
      tpu.enqueue_dma source(%dma_start3A_28 : memref<48x128xi32, #tpu.memory_space<hbm>>) target(%arg5 : memref<48x128xi32, #tpu.memory_space<vmem>>) target_semaphore(%run_scoped3A : memref<!tpu.dma_semaphore, #tpu.memory_space<semaphore_mem>>)
      %dma_wait3A = arith.constant 0 : i32
      %dma_wait3A_29 = arith.constant 0 : i32
      %dma_wait3A_30 = tpu.memref_slice %arg3[%add3A, %dma_wait3A, %dma_wait3A_29] : memref<32x48x128xi32, #tpu.memory_space<hbm>> -> memref<1x48x128xi32, #tpu.memory_space<hbm>>
      %dma_wait3A_31 = tpu.memref_squeeze %dma_wait3A_30 : memref<1x48x128xi32, #tpu.memory_space<hbm>> -> memref<48x128xi32, #tpu.memory_space<hbm>>
      %dma_wait3A_32 = arith.constant 0 : i32
      %dma_wait3A_33 = arith.constant 0 : i32
      %dma_wait3A_34 = tpu.memref_slice %arg3[%add3A, %dma_wait3A_32, %dma_wait3A_33] : memref<32x48x128xi32, #tpu.memory_space<hbm>> -> memref<1x48x128xi32, #tpu.memory_space<hbm>>
      %dma_wait3A_35 = tpu.memref_squeeze %dma_wait3A_34 : memref<1x48x128xi32, #tpu.memory_space<hbm>> -> memref<48x128xi32, #tpu.memory_space<hbm>>
      tpu.wait_dma2 semaphore(%run_scoped3A : memref<!tpu.dma_semaphore, #tpu.memory_space<semaphore_mem>>) src(%dma_wait3A_35 : memref<48x128xi32, #tpu.memory_space<hbm>>) dst(%arg5 : memref<48x128xi32, #tpu.memory_space<vmem>>)
      tpu.yield
    }) : () -> ()
    %dma_start3A = arith.constant 0 : i32
    %dma_start3A_3 = arith.constant 0 : i32
    %dma_start3A_4 = tpu.memref_slice %arg5[%dma_start3A, %dma_start3A_3] : memref<48x128xi32, #tpu.memory_space<vmem>> -> memref<1x128xi32, #tpu.memory_space<vmem>>
    %dma_start3A_5 = tpu.memref_squeeze %dma_start3A_4 : memref<1x128xi32, #tpu.memory_space<vmem>> -> memref<128xi32, #tpu.memory_space<vmem>>
    %dma_start3A_6 = arith.constant 0 : i32
    %dma_start3A_7 = arith.constant 0 : i32
    %dma_start3A_8 = tpu.memref_slice %arg2[%dma_start3A_6, %dma_start3A_7] : memref<1024x128xf32, #tpu.memory_space<hbm>> -> memref<1024x128xf32, #tpu.memory_space<hbm>>
    tpu.enqueue_indirect_dma source(%dma_start3A_8 : memref<1024x128xf32, #tpu.memory_space<hbm>>) target(%arg6 : memref<128x128xf32, #tpu.memory_space<vmem>>) offsets(%dma_start3A_5 : memref<128xi32, #tpu.memory_space<vmem>>) semaphore(%arg8 : memref<!tpu.dma_semaphore, #tpu.memory_space<semaphore_mem>>)
    %dma_start3A_9 = arith.constant 1 : i32
    %dma_start3A_10 = arith.constant 0 : i32
    %dma_start3A_11 = tpu.memref_slice %arg5[%dma_start3A_9, %dma_start3A_10] : memref<48x128xi32, #tpu.memory_space<vmem>> -> memref<1x128xi32, #tpu.memory_space<vmem>>
    %dma_start3A_12 = tpu.memref_squeeze %dma_start3A_11 : memref<1x128xi32, #tpu.memory_space<vmem>> -> memref<128xi32, #tpu.memory_space<vmem>>
    %dma_start3A_13 = arith.constant 0 : i32
    %dma_start3A_14 = arith.constant 0 : i32
    %dma_start3A_15 = tpu.memref_slice %arg2[%dma_start3A_13, %dma_start3A_14] : memref<1024x128xf32, #tpu.memory_space<hbm>> -> memref<1024x128xf32, #tpu.memory_space<hbm>>
    tpu.enqueue_indirect_dma source(%dma_start3A_15 : memref<1024x128xf32, #tpu.memory_space<hbm>>) target(%arg7 : memref<128x128xf32, #tpu.memory_space<vmem>>) offsets(%dma_start3A_12 : memref<128xi32, #tpu.memory_space<vmem>>) semaphore(%arg9 : memref<!tpu.dma_semaphore, #tpu.memory_space<semaphore_mem>>)
    %scan3A = arith.constant 0 : i32
    %scan3A_16 = arith.constant 0 : i32
    %scan3A_17 = arith.constant 24 : i32
    %scan3A_18 = arith.addi %scan3A_16, %scan3A_17 : i32
    %scan3A_19 = arith.constant 1 : i32
    scf.for %scan3A_21 = %scan3A_16 to %scan3A_18 step %scan3A_19  : i32 {
      %mul3A_22 = arith.constant 2 : i32
      %mul3A_23 = arith.muli %scan3A_21, %mul3A_22 : i32
      %add3A_24 = arith.constant 0 : i32
      %add3A_25 = arith.addi %mul3A_23, %add3A_24 : i32
      %dma_wait3A = arith.constant 0 : i32
      %dma_wait3A_26 = tpu.memref_slice %arg5[%add3A_25, %dma_wait3A] : memref<48x128xi32, #tpu.memory_space<vmem>> -> memref<1x128xi32, #tpu.memory_space<vmem>>
      %dma_wait3A_27 = tpu.memref_squeeze %dma_wait3A_26 : memref<1x128xi32, #tpu.memory_space<vmem>> -> memref<128xi32, #tpu.memory_space<vmem>>
      %dma_wait3A_28 = arith.constant 0 : i32
      %dma_wait3A_29 = arith.constant 0 : i32
      %dma_wait3A_30 = tpu.memref_slice %arg2[%dma_wait3A_28, %dma_wait3A_29] : memref<1024x128xf32, #tpu.memory_space<hbm>> -> memref<1024x128xf32, #tpu.memory_space<hbm>>
      tpu.wait_indirect_dma semaphore(%arg8 : memref<!tpu.dma_semaphore, #tpu.memory_space<semaphore_mem>>) src(%dma_wait3A_30 : memref<1024x128xf32, #tpu.memory_space<hbm>>) dst(%arg6 : memref<128x128xf32, #tpu.memory_space<vmem>>)
      %mul3A_31 = arith.constant 128 : i32
      %mul3A_32 = arith.muli %add3A_25, %mul3A_31 : i32
      %add3A_33 = arith.addi %mul3A_2, %mul3A_32 : i32
      "tpu.region"() ({
        %run_scoped3A = tpu.sem_alloc : memref<!tpu.dma_semaphore, #tpu.memory_space<semaphore_mem>>
        %dma_start3A_56 = arith.constant 0 : i32
        %dma_start3A_57 = tpu.memref_slice %arg4[%add3A_33, %dma_start3A_56] : memref<196608x128xf32, #tpu.memory_space<hbm>> -> memref<128x128xf32, #tpu.memory_space<hbm>>
        %dma_start3A_58 = arith.constant 0 : i32
        %dma_start3A_59 = tpu.memref_slice %arg4[%add3A_33, %dma_start3A_58] : memref<196608x128xf32, #tpu.memory_space<hbm>> -> memref<128x128xf32, #tpu.memory_space<hbm>>
        tpu.enqueue_dma source(%arg6 : memref<128x128xf32, #tpu.memory_space<vmem>>) target(%dma_start3A_59 : memref<128x128xf32, #tpu.memory_space<hbm>>) target_semaphore(%run_scoped3A : memref<!tpu.dma_semaphore, #tpu.memory_space<semaphore_mem>>)
        %dma_wait3A_60 = arith.constant 0 : i32
        %dma_wait3A_61 = tpu.memref_slice %arg4[%add3A_33, %dma_wait3A_60] : memref<196608x128xf32, #tpu.memory_space<hbm>> -> memref<128x128xf32, #tpu.memory_space<hbm>>
        %dma_wait3A_62 = arith.constant 0 : i32
        %dma_wait3A_63 = tpu.memref_slice %arg4[%add3A_33, %dma_wait3A_62] : memref<196608x128xf32, #tpu.memory_space<hbm>> -> memref<128x128xf32, #tpu.memory_space<hbm>>
        tpu.wait_dma2 semaphore(%run_scoped3A : memref<!tpu.dma_semaphore, #tpu.memory_space<semaphore_mem>>) src(%arg6 : memref<128x128xf32, #tpu.memory_space<vmem>>) dst(%dma_wait3A_63 : memref<128x128xf32, #tpu.memory_space<hbm>>)
        tpu.yield
      }) : () -> ()
      %add3A_34 = arith.constant 2 : i32
      %add3A_35 = arith.addi %add3A_25, %add3A_34 : i32
      %lt3A = arith.constant 48 : i32
      %lt3A_36 = arith.cmpi slt, %add3A_35, %lt3A : i32
      %convert_element_type3A = arith.extui %lt3A_36 : i1 to i32
      %cond3A = arith.constant 0 : i32
      %cond3A_37 = arith.cmpi ne, %convert_element_type3A, %cond3A : i32
      scf.if %cond3A_37 {
        %add3A_56 = arith.constant 2 : i32
        %add3A_57 = arith.addi %add3A_25, %add3A_56 : i32
        %dma_start3A_58 = arith.constant 0 : i32
        %dma_start3A_59 = tpu.memref_slice %arg5[%add3A_57, %dma_start3A_58] : memref<48x128xi32, #tpu.memory_space<vmem>> -> memref<1x128xi32, #tpu.memory_space<vmem>>
        %dma_start3A_60 = tpu.memref_squeeze %dma_start3A_59 : memref<1x128xi32, #tpu.memory_space<vmem>> -> memref<128xi32, #tpu.memory_space<vmem>>
        %dma_start3A_61 = arith.constant 0 : i32
        %dma_start3A_62 = arith.constant 0 : i32
        %dma_start3A_63 = tpu.memref_slice %arg2[%dma_start3A_61, %dma_start3A_62] : memref<1024x128xf32, #tpu.memory_space<hbm>> -> memref<1024x128xf32, #tpu.memory_space<hbm>>
        tpu.enqueue_indirect_dma source(%dma_start3A_63 : memref<1024x128xf32, #tpu.memory_space<hbm>>) target(%arg6 : memref<128x128xf32, #tpu.memory_space<vmem>>) offsets(%dma_start3A_60 : memref<128xi32, #tpu.memory_space<vmem>>) semaphore(%arg8 : memref<!tpu.dma_semaphore, #tpu.memory_space<semaphore_mem>>)
      } else {
      }
      %add3A_38 = arith.constant 1 : i32
      %add3A_39 = arith.addi %mul3A_23, %add3A_38 : i32
      %dma_wait3A_40 = arith.constant 0 : i32
      %dma_wait3A_41 = tpu.memref_slice %arg5[%add3A_39, %dma_wait3A_40] : memref<48x128xi32, #tpu.memory_space<vmem>> -> memref<1x128xi32, #tpu.memory_space<vmem>>
      %dma_wait3A_42 = tpu.memref_squeeze %dma_wait3A_41 : memref<1x128xi32, #tpu.memory_space<vmem>> -> memref<128xi32, #tpu.memory_space<vmem>>
      %dma_wait3A_43 = arith.constant 0 : i32
      %dma_wait3A_44 = arith.constant 0 : i32
      %dma_wait3A_45 = tpu.memref_slice %arg2[%dma_wait3A_43, %dma_wait3A_44] : memref<1024x128xf32, #tpu.memory_space<hbm>> -> memref<1024x128xf32, #tpu.memory_space<hbm>>
      tpu.wait_indirect_dma semaphore(%arg9 : memref<!tpu.dma_semaphore, #tpu.memory_space<semaphore_mem>>) src(%dma_wait3A_45 : memref<1024x128xf32, #tpu.memory_space<hbm>>) dst(%arg7 : memref<128x128xf32, #tpu.memory_space<vmem>>)
      %mul3A_46 = arith.constant 128 : i32
      %mul3A_47 = arith.muli %add3A_39, %mul3A_46 : i32
      %add3A_48 = arith.addi %mul3A_2, %mul3A_47 : i32
      "tpu.region"() ({
        %run_scoped3A = tpu.sem_alloc : memref<!tpu.dma_semaphore, #tpu.memory_space<semaphore_mem>>
        %dma_start3A_56 = arith.constant 0 : i32
        %dma_start3A_57 = tpu.memref_slice %arg4[%add3A_48, %dma_start3A_56] : memref<196608x128xf32, #tpu.memory_space<hbm>> -> memref<128x128xf32, #tpu.memory_space<hbm>>
        %dma_start3A_58 = arith.constant 0 : i32
        %dma_start3A_59 = tpu.memref_slice %arg4[%add3A_48, %dma_start3A_58] : memref<196608x128xf32, #tpu.memory_space<hbm>> -> memref<128x128xf32, #tpu.memory_space<hbm>>
        tpu.enqueue_dma source(%arg7 : memref<128x128xf32, #tpu.memory_space<vmem>>) target(%dma_start3A_59 : memref<128x128xf32, #tpu.memory_space<hbm>>) target_semaphore(%run_scoped3A : memref<!tpu.dma_semaphore, #tpu.memory_space<semaphore_mem>>)
        %dma_wait3A_60 = arith.constant 0 : i32
        %dma_wait3A_61 = tpu.memref_slice %arg4[%add3A_48, %dma_wait3A_60] : memref<196608x128xf32, #tpu.memory_space<hbm>> -> memref<128x128xf32, #tpu.memory_space<hbm>>
        %dma_wait3A_62 = arith.constant 0 : i32
        %dma_wait3A_63 = tpu.memref_slice %arg4[%add3A_48, %dma_wait3A_62] : memref<196608x128xf32, #tpu.memory_space<hbm>> -> memref<128x128xf32, #tpu.memory_space<hbm>>
        tpu.wait_dma2 semaphore(%run_scoped3A : memref<!tpu.dma_semaphore, #tpu.memory_space<semaphore_mem>>) src(%arg7 : memref<128x128xf32, #tpu.memory_space<vmem>>) dst(%dma_wait3A_63 : memref<128x128xf32, #tpu.memory_space<hbm>>)
        tpu.yield
      }) : () -> ()
      %add3A_49 = arith.constant 2 : i32
      %add3A_50 = arith.addi %add3A_39, %add3A_49 : i32
      %lt3A_51 = arith.constant 48 : i32
      %lt3A_52 = arith.cmpi slt, %add3A_50, %lt3A_51 : i32
      %convert_element_type3A_53 = arith.extui %lt3A_52 : i1 to i32
      %cond3A_54 = arith.constant 0 : i32
      %cond3A_55 = arith.cmpi ne, %convert_element_type3A_53, %cond3A_54 : i32
      scf.if %cond3A_55 {
        %add3A_56 = arith.constant 2 : i32
        %add3A_57 = arith.addi %add3A_39, %add3A_56 : i32
        %dma_start3A_58 = arith.constant 0 : i32
        %dma_start3A_59 = tpu.memref_slice %arg5[%add3A_57, %dma_start3A_58] : memref<48x128xi32, #tpu.memory_space<vmem>> -> memref<1x128xi32, #tpu.memory_space<vmem>>
        %dma_start3A_60 = tpu.memref_squeeze %dma_start3A_59 : memref<1x128xi32, #tpu.memory_space<vmem>> -> memref<128xi32, #tpu.memory_space<vmem>>
        %dma_start3A_61 = arith.constant 0 : i32
        %dma_start3A_62 = arith.constant 0 : i32
        %dma_start3A_63 = tpu.memref_slice %arg2[%dma_start3A_61, %dma_start3A_62] : memref<1024x128xf32, #tpu.memory_space<hbm>> -> memref<1024x128xf32, #tpu.memory_space<hbm>>
        tpu.enqueue_indirect_dma source(%dma_start3A_63 : memref<1024x128xf32, #tpu.memory_space<hbm>>) target(%arg7 : memref<128x128xf32, #tpu.memory_space<vmem>>) offsets(%dma_start3A_60 : memref<128xi32, #tpu.memory_space<vmem>>) semaphore(%arg9 : memref<!tpu.dma_semaphore, #tpu.memory_space<semaphore_mem>>)
      } else {
      }
    }
    %scan3A_20 = arith.constant 24 : i32
    return
  }
}

#map = affine_map<(d0, d1) -> (0, 0)>
#map1 = affine_map<(d0, d1) -> (0, 0, 0)>
module attributes {stable_mosaic.version = 14 : i64} {
  func.func @gather_kernel(%arg0: i32, %arg1: i32, %arg2: memref<1024x128xf32, #tpu.memory_space<hbm>>, %arg3: memref<32x8x128xi32, #tpu.memory_space<hbm>>, %arg4: memref<32768x128xf32, #tpu.memory_space<hbm>>, %arg5: memref<8x128xi32, #tpu.memory_space<vmem>>, %arg6: memref<128x128xf32, #tpu.memory_space<vmem>>, %arg7: memref<128x128xf32, #tpu.memory_space<vmem>>, %arg8: memref<!tpu.dma_semaphore, #tpu.memory_space<semaphore_mem>>, %arg9: memref<!tpu.dma_semaphore, #tpu.memory_space<semaphore_mem>>) attributes {dimension_semantics = [#tpu.dimension_semantics<core_parallel>, #tpu.dimension_semantics<subcore_parallel>], iteration_bounds = array<i64: 2, 16>, scalar_prefetch = 0 : i64, scratch_operands = 5 : i64, tpu.core_type = #tpu.core_type<sc_vector_subcore>, window_params = [{transform_indices = #map}, {transform_indices = #map1}, {transform_indices = #map}]} {
    %mul3A = arith.constant 2 : i32
    %mul3A_0 = arith.muli %arg1, %mul3A : i32
    %add3A = arith.addi %mul3A_0, %arg0 : i32
    %mul3A_1 = arith.constant 1024 : i32
    %mul3A_2 = arith.muli %add3A, %mul3A_1 : i32
    "tpu.region"() ({
      %run_scoped3A = tpu.sem_alloc : memref<!tpu.dma_semaphore, #tpu.memory_space<semaphore_mem>>
      %dma_start3A_21 = arith.constant 0 : i32
      %dma_start3A_22 = arith.constant 0 : i32
      %dma_start3A_23 = tpu.memref_slice %arg3[%add3A, %dma_start3A_21, %dma_start3A_22] : memref<32x8x128xi32, #tpu.memory_space<hbm>> -> memref<1x8x128xi32, #tpu.memory_space<hbm>>
      %dma_start3A_24 = tpu.memref_squeeze %dma_start3A_23 : memref<1x8x128xi32, #tpu.memory_space<hbm>> -> memref<8x128xi32, #tpu.memory_space<hbm>>
      %dma_start3A_25 = arith.constant 0 : i32
      %dma_start3A_26 = arith.constant 0 : i32
      %dma_start3A_27 = tpu.memref_slice %arg3[%add3A, %dma_start3A_25, %dma_start3A_26] : memref<32x8x128xi32, #tpu.memory_space<hbm>> -> memref<1x8x128xi32, #tpu.memory_space<hbm>>
      %dma_start3A_28 = tpu.memref_squeeze %dma_start3A_27 : memref<1x8x128xi32, #tpu.memory_space<hbm>> -> memref<8x128xi32, #tpu.memory_space<hbm>>
      tpu.enqueue_dma source(%dma_start3A_28 : memref<8x128xi32, #tpu.memory_space<hbm>>) target(%arg5 : memref<8x128xi32, #tpu.memory_space<vmem>>) target_semaphore(%run_scoped3A : memref<!tpu.dma_semaphore, #tpu.memory_space<semaphore_mem>>)
      %dma_wait3A = arith.constant 0 : i32
      %dma_wait3A_29 = arith.constant 0 : i32
      %dma_wait3A_30 = tpu.memref_slice %arg3[%add3A, %dma_wait3A, %dma_wait3A_29] : memref<32x8x128xi32, #tpu.memory_space<hbm>> -> memref<1x8x128xi32, #tpu.memory_space<hbm>>
      %dma_wait3A_31 = tpu.memref_squeeze %dma_wait3A_30 : memref<1x8x128xi32, #tpu.memory_space<hbm>> -> memref<8x128xi32, #tpu.memory_space<hbm>>
      %dma_wait3A_32 = arith.constant 0 : i32
      %dma_wait3A_33 = arith.constant 0 : i32
      %dma_wait3A_34 = tpu.memref_slice %arg3[%add3A, %dma_wait3A_32, %dma_wait3A_33] : memref<32x8x128xi32, #tpu.memory_space<hbm>> -> memref<1x8x128xi32, #tpu.memory_space<hbm>>
      %dma_wait3A_35 = tpu.memref_squeeze %dma_wait3A_34 : memref<1x8x128xi32, #tpu.memory_space<hbm>> -> memref<8x128xi32, #tpu.memory_space<hbm>>
      tpu.wait_dma2 semaphore(%run_scoped3A : memref<!tpu.dma_semaphore, #tpu.memory_space<semaphore_mem>>) src(%dma_wait3A_35 : memref<8x128xi32, #tpu.memory_space<hbm>>) dst(%arg5 : memref<8x128xi32, #tpu.memory_space<vmem>>)
      tpu.yield
    }) : () -> ()
    %dma_start3A = arith.constant 0 : i32
    %dma_start3A_3 = arith.constant 0 : i32
    %dma_start3A_4 = tpu.memref_slice %arg5[%dma_start3A, %dma_start3A_3] : memref<8x128xi32, #tpu.memory_space<vmem>> -> memref<1x128xi32, #tpu.memory_space<vmem>>
    %dma_start3A_5 = tpu.memref_squeeze %dma_start3A_4 : memref<1x128xi32, #tpu.memory_space<vmem>> -> memref<128xi32, #tpu.memory_space<vmem>>
    %dma_start3A_6 = arith.constant 0 : i32
    %dma_start3A_7 = arith.constant 0 : i32
    %dma_start3A_8 = tpu.memref_slice %arg2[%dma_start3A_6, %dma_start3A_7] : memref<1024x128xf32, #tpu.memory_space<hbm>> -> memref<1024x128xf32, #tpu.memory_space<hbm>>
    tpu.enqueue_indirect_dma source(%dma_start3A_8 : memref<1024x128xf32, #tpu.memory_space<hbm>>) target(%arg6 : memref<128x128xf32, #tpu.memory_space<vmem>>) offsets(%dma_start3A_5 : memref<128xi32, #tpu.memory_space<vmem>>) semaphore(%arg8 : memref<!tpu.dma_semaphore, #tpu.memory_space<semaphore_mem>>)
    %dma_start3A_9 = arith.constant 1 : i32
    %dma_start3A_10 = arith.constant 0 : i32
    %dma_start3A_11 = tpu.memref_slice %arg5[%dma_start3A_9, %dma_start3A_10] : memref<8x128xi32, #tpu.memory_space<vmem>> -> memref<1x128xi32, #tpu.memory_space<vmem>>
    %dma_start3A_12 = tpu.memref_squeeze %dma_start3A_11 : memref<1x128xi32, #tpu.memory_space<vmem>> -> memref<128xi32, #tpu.memory_space<vmem>>
    %dma_start3A_13 = arith.constant 0 : i32
    %dma_start3A_14 = arith.constant 0 : i32
    %dma_start3A_15 = tpu.memref_slice %arg2[%dma_start3A_13, %dma_start3A_14] : memref<1024x128xf32, #tpu.memory_space<hbm>> -> memref<1024x128xf32, #tpu.memory_space<hbm>>
    tpu.enqueue_indirect_dma source(%dma_start3A_15 : memref<1024x128xf32, #tpu.memory_space<hbm>>) target(%arg7 : memref<128x128xf32, #tpu.memory_space<vmem>>) offsets(%dma_start3A_12 : memref<128xi32, #tpu.memory_space<vmem>>) semaphore(%arg9 : memref<!tpu.dma_semaphore, #tpu.memory_space<semaphore_mem>>)
    %scan3A = arith.constant 0 : i32
    %scan3A_16 = arith.constant 0 : i32
    %scan3A_17 = arith.constant 4 : i32
    %scan3A_18 = arith.addi %scan3A_16, %scan3A_17 : i32
    %scan3A_19 = arith.constant 1 : i32
    scf.for %scan3A_21 = %scan3A_16 to %scan3A_18 step %scan3A_19  : i32 {
      %mul3A_22 = arith.constant 2 : i32
      %mul3A_23 = arith.muli %scan3A_21, %mul3A_22 : i32
      %add3A_24 = arith.constant 0 : i32
      %add3A_25 = arith.addi %mul3A_23, %add3A_24 : i32
      %dma_wait3A = arith.constant 0 : i32
      %dma_wait3A_26 = tpu.memref_slice %arg5[%add3A_25, %dma_wait3A] : memref<8x128xi32, #tpu.memory_space<vmem>> -> memref<1x128xi32, #tpu.memory_space<vmem>>
      %dma_wait3A_27 = tpu.memref_squeeze %dma_wait3A_26 : memref<1x128xi32, #tpu.memory_space<vmem>> -> memref<128xi32, #tpu.memory_space<vmem>>
      %dma_wait3A_28 = arith.constant 0 : i32
      %dma_wait3A_29 = arith.constant 0 : i32
      %dma_wait3A_30 = tpu.memref_slice %arg2[%dma_wait3A_28, %dma_wait3A_29] : memref<1024x128xf32, #tpu.memory_space<hbm>> -> memref<1024x128xf32, #tpu.memory_space<hbm>>
      tpu.wait_indirect_dma semaphore(%arg8 : memref<!tpu.dma_semaphore, #tpu.memory_space<semaphore_mem>>) src(%dma_wait3A_30 : memref<1024x128xf32, #tpu.memory_space<hbm>>) dst(%arg6 : memref<128x128xf32, #tpu.memory_space<vmem>>)
      %mul3A_31 = arith.constant 128 : i32
      %mul3A_32 = arith.muli %add3A_25, %mul3A_31 : i32
      %add3A_33 = arith.addi %mul3A_2, %mul3A_32 : i32
      "tpu.region"() ({
        %run_scoped3A = tpu.sem_alloc : memref<!tpu.dma_semaphore, #tpu.memory_space<semaphore_mem>>
        %dma_start3A_56 = arith.constant 0 : i32
        %dma_start3A_57 = tpu.memref_slice %arg4[%add3A_33, %dma_start3A_56] : memref<32768x128xf32, #tpu.memory_space<hbm>> -> memref<128x128xf32, #tpu.memory_space<hbm>>
        %dma_start3A_58 = arith.constant 0 : i32
        %dma_start3A_59 = tpu.memref_slice %arg4[%add3A_33, %dma_start3A_58] : memref<32768x128xf32, #tpu.memory_space<hbm>> -> memref<128x128xf32, #tpu.memory_space<hbm>>
        tpu.enqueue_dma source(%arg6 : memref<128x128xf32, #tpu.memory_space<vmem>>) target(%dma_start3A_59 : memref<128x128xf32, #tpu.memory_space<hbm>>) target_semaphore(%run_scoped3A : memref<!tpu.dma_semaphore, #tpu.memory_space<semaphore_mem>>)
        %dma_wait3A_60 = arith.constant 0 : i32
        %dma_wait3A_61 = tpu.memref_slice %arg4[%add3A_33, %dma_wait3A_60] : memref<32768x128xf32, #tpu.memory_space<hbm>> -> memref<128x128xf32, #tpu.memory_space<hbm>>
        %dma_wait3A_62 = arith.constant 0 : i32
        %dma_wait3A_63 = tpu.memref_slice %arg4[%add3A_33, %dma_wait3A_62] : memref<32768x128xf32, #tpu.memory_space<hbm>> -> memref<128x128xf32, #tpu.memory_space<hbm>>
        tpu.wait_dma2 semaphore(%run_scoped3A : memref<!tpu.dma_semaphore, #tpu.memory_space<semaphore_mem>>) src(%arg6 : memref<128x128xf32, #tpu.memory_space<vmem>>) dst(%dma_wait3A_63 : memref<128x128xf32, #tpu.memory_space<hbm>>)
        tpu.yield
      }) : () -> ()
      %add3A_34 = arith.constant 2 : i32
      %add3A_35 = arith.addi %add3A_25, %add3A_34 : i32
      %lt3A = arith.constant 8 : i32
      %lt3A_36 = arith.cmpi slt, %add3A_35, %lt3A : i32
      %convert_element_type3A = arith.extui %lt3A_36 : i1 to i32
      %cond3A = arith.constant 0 : i32
      %cond3A_37 = arith.cmpi ne, %convert_element_type3A, %cond3A : i32
      scf.if %cond3A_37 {
        %add3A_56 = arith.constant 2 : i32
        %add3A_57 = arith.addi %add3A_25, %add3A_56 : i32
        %dma_start3A_58 = arith.constant 0 : i32
        %dma_start3A_59 = tpu.memref_slice %arg5[%add3A_57, %dma_start3A_58] : memref<8x128xi32, #tpu.memory_space<vmem>> -> memref<1x128xi32, #tpu.memory_space<vmem>>
        %dma_start3A_60 = tpu.memref_squeeze %dma_start3A_59 : memref<1x128xi32, #tpu.memory_space<vmem>> -> memref<128xi32, #tpu.memory_space<vmem>>
        %dma_start3A_61 = arith.constant 0 : i32
        %dma_start3A_62 = arith.constant 0 : i32
        %dma_start3A_63 = tpu.memref_slice %arg2[%dma_start3A_61, %dma_start3A_62] : memref<1024x128xf32, #tpu.memory_space<hbm>> -> memref<1024x128xf32, #tpu.memory_space<hbm>>
        tpu.enqueue_indirect_dma source(%dma_start3A_63 : memref<1024x128xf32, #tpu.memory_space<hbm>>) target(%arg6 : memref<128x128xf32, #tpu.memory_space<vmem>>) offsets(%dma_start3A_60 : memref<128xi32, #tpu.memory_space<vmem>>) semaphore(%arg8 : memref<!tpu.dma_semaphore, #tpu.memory_space<semaphore_mem>>)
      } else {
      }
      %add3A_38 = arith.constant 1 : i32
      %add3A_39 = arith.addi %mul3A_23, %add3A_38 : i32
      %dma_wait3A_40 = arith.constant 0 : i32
      %dma_wait3A_41 = tpu.memref_slice %arg5[%add3A_39, %dma_wait3A_40] : memref<8x128xi32, #tpu.memory_space<vmem>> -> memref<1x128xi32, #tpu.memory_space<vmem>>
      %dma_wait3A_42 = tpu.memref_squeeze %dma_wait3A_41 : memref<1x128xi32, #tpu.memory_space<vmem>> -> memref<128xi32, #tpu.memory_space<vmem>>
      %dma_wait3A_43 = arith.constant 0 : i32
      %dma_wait3A_44 = arith.constant 0 : i32
      %dma_wait3A_45 = tpu.memref_slice %arg2[%dma_wait3A_43, %dma_wait3A_44] : memref<1024x128xf32, #tpu.memory_space<hbm>> -> memref<1024x128xf32, #tpu.memory_space<hbm>>
      tpu.wait_indirect_dma semaphore(%arg9 : memref<!tpu.dma_semaphore, #tpu.memory_space<semaphore_mem>>) src(%dma_wait3A_45 : memref<1024x128xf32, #tpu.memory_space<hbm>>) dst(%arg7 : memref<128x128xf32, #tpu.memory_space<vmem>>)
      %mul3A_46 = arith.constant 128 : i32
      %mul3A_47 = arith.muli %add3A_39, %mul3A_46 : i32
      %add3A_48 = arith.addi %mul3A_2, %mul3A_47 : i32
      "tpu.region"() ({
        %run_scoped3A = tpu.sem_alloc : memref<!tpu.dma_semaphore, #tpu.memory_space<semaphore_mem>>
        %dma_start3A_56 = arith.constant 0 : i32
        %dma_start3A_57 = tpu.memref_slice %arg4[%add3A_48, %dma_start3A_56] : memref<32768x128xf32, #tpu.memory_space<hbm>> -> memref<128x128xf32, #tpu.memory_space<hbm>>
        %dma_start3A_58 = arith.constant 0 : i32
        %dma_start3A_59 = tpu.memref_slice %arg4[%add3A_48, %dma_start3A_58] : memref<32768x128xf32, #tpu.memory_space<hbm>> -> memref<128x128xf32, #tpu.memory_space<hbm>>
        tpu.enqueue_dma source(%arg7 : memref<128x128xf32, #tpu.memory_space<vmem>>) target(%dma_start3A_59 : memref<128x128xf32, #tpu.memory_space<hbm>>) target_semaphore(%run_scoped3A : memref<!tpu.dma_semaphore, #tpu.memory_space<semaphore_mem>>)
        %dma_wait3A_60 = arith.constant 0 : i32
        %dma_wait3A_61 = tpu.memref_slice %arg4[%add3A_48, %dma_wait3A_60] : memref<32768x128xf32, #tpu.memory_space<hbm>> -> memref<128x128xf32, #tpu.memory_space<hbm>>
        %dma_wait3A_62 = arith.constant 0 : i32
        %dma_wait3A_63 = tpu.memref_slice %arg4[%add3A_48, %dma_wait3A_62] : memref<32768x128xf32, #tpu.memory_space<hbm>> -> memref<128x128xf32, #tpu.memory_space<hbm>>
        tpu.wait_dma2 semaphore(%run_scoped3A : memref<!tpu.dma_semaphore, #tpu.memory_space<semaphore_mem>>) src(%arg7 : memref<128x128xf32, #tpu.memory_space<vmem>>) dst(%dma_wait3A_63 : memref<128x128xf32, #tpu.memory_space<hbm>>)
        tpu.yield
      }) : () -> ()
      %add3A_49 = arith.constant 2 : i32
      %add3A_50 = arith.addi %add3A_39, %add3A_49 : i32
      %lt3A_51 = arith.constant 8 : i32
      %lt3A_52 = arith.cmpi slt, %add3A_50, %lt3A_51 : i32
      %convert_element_type3A_53 = arith.extui %lt3A_52 : i1 to i32
      %cond3A_54 = arith.constant 0 : i32
      %cond3A_55 = arith.cmpi ne, %convert_element_type3A_53, %cond3A_54 : i32
      scf.if %cond3A_55 {
        %add3A_56 = arith.constant 2 : i32
        %add3A_57 = arith.addi %add3A_39, %add3A_56 : i32
        %dma_start3A_58 = arith.constant 0 : i32
        %dma_start3A_59 = tpu.memref_slice %arg5[%add3A_57, %dma_start3A_58] : memref<8x128xi32, #tpu.memory_space<vmem>> -> memref<1x128xi32, #tpu.memory_space<vmem>>
        %dma_start3A_60 = tpu.memref_squeeze %dma_start3A_59 : memref<1x128xi32, #tpu.memory_space<vmem>> -> memref<128xi32, #tpu.memory_space<vmem>>
        %dma_start3A_61 = arith.constant 0 : i32
        %dma_start3A_62 = arith.constant 0 : i32
        %dma_start3A_63 = tpu.memref_slice %arg2[%dma_start3A_61, %dma_start3A_62] : memref<1024x128xf32, #tpu.memory_space<hbm>> -> memref<1024x128xf32, #tpu.memory_space<hbm>>
        tpu.enqueue_indirect_dma source(%dma_start3A_63 : memref<1024x128xf32, #tpu.memory_space<hbm>>) target(%arg7 : memref<128x128xf32, #tpu.memory_space<vmem>>) offsets(%dma_start3A_60 : memref<128xi32, #tpu.memory_space<vmem>>) semaphore(%arg9 : memref<!tpu.dma_semaphore, #tpu.memory_space<semaphore_mem>>)
      } else {
      }
    }
    %scan3A_20 = arith.constant 4 : i32
    return
  }
}

#map = affine_map<(d0, d1) -> (0, 0)>
#map1 = affine_map<(d0, d1) -> (0, 0, 0)>
module attributes {stable_mosaic.version = 14 : i64} {
  func.func @gather_kernel(%arg0: i32, %arg1: i32, %arg2: memref<1024x128xf32, #tpu.memory_space<hbm>>, %arg3: memref<32x48x128xi32, #tpu.memory_space<hbm>>, %arg4: memref<196608x128xf32, #tpu.memory_space<hbm>>, %arg5: memref<48x128xi32, #tpu.memory_space<vmem>>, %arg6: memref<128x128xf32, #tpu.memory_space<vmem>>, %arg7: memref<128x128xf32, #tpu.memory_space<vmem>>, %arg8: memref<!tpu.dma_semaphore, #tpu.memory_space<semaphore_mem>>, %arg9: memref<!tpu.dma_semaphore, #tpu.memory_space<semaphore_mem>>) attributes {dimension_semantics = [#tpu.dimension_semantics<core_parallel>, #tpu.dimension_semantics<subcore_parallel>], iteration_bounds = array<i64: 2, 16>, scalar_prefetch = 0 : i64, scratch_operands = 5 : i64, tpu.core_type = #tpu.core_type<sc_vector_subcore>, window_params = [{transform_indices = #map}, {transform_indices = #map1}, {transform_indices = #map}]} {
    %mul3A = arith.constant 2 : i32
    %mul3A_0 = arith.muli %arg1, %mul3A : i32
    %add3A = arith.addi %mul3A_0, %arg0 : i32
    %mul3A_1 = arith.constant 6144 : i32
    %mul3A_2 = arith.muli %add3A, %mul3A_1 : i32
    "tpu.region"() ({
      %run_scoped3A = tpu.sem_alloc : memref<!tpu.dma_semaphore, #tpu.memory_space<semaphore_mem>>
      %dma_start3A_21 = arith.constant 0 : i32
      %dma_start3A_22 = arith.constant 0 : i32
      %dma_start3A_23 = tpu.memref_slice %arg3[%add3A, %dma_start3A_21, %dma_start3A_22] : memref<32x48x128xi32, #tpu.memory_space<hbm>> -> memref<1x48x128xi32, #tpu.memory_space<hbm>>
      %dma_start3A_24 = tpu.memref_squeeze %dma_start3A_23 : memref<1x48x128xi32, #tpu.memory_space<hbm>> -> memref<48x128xi32, #tpu.memory_space<hbm>>
      %dma_start3A_25 = arith.constant 0 : i32
      %dma_start3A_26 = arith.constant 0 : i32
      %dma_start3A_27 = tpu.memref_slice %arg3[%add3A, %dma_start3A_25, %dma_start3A_26] : memref<32x48x128xi32, #tpu.memory_space<hbm>> -> memref<1x48x128xi32, #tpu.memory_space<hbm>>
      %dma_start3A_28 = tpu.memref_squeeze %dma_start3A_27 : memref<1x48x128xi32, #tpu.memory_space<hbm>> -> memref<48x128xi32, #tpu.memory_space<hbm>>
      tpu.enqueue_dma source(%dma_start3A_28 : memref<48x128xi32, #tpu.memory_space<hbm>>) target(%arg5 : memref<48x128xi32, #tpu.memory_space<vmem>>) target_semaphore(%run_scoped3A : memref<!tpu.dma_semaphore, #tpu.memory_space<semaphore_mem>>)
      %dma_wait3A = arith.constant 0 : i32
      %dma_wait3A_29 = arith.constant 0 : i32
      %dma_wait3A_30 = tpu.memref_slice %arg3[%add3A, %dma_wait3A, %dma_wait3A_29] : memref<32x48x128xi32, #tpu.memory_space<hbm>> -> memref<1x48x128xi32, #tpu.memory_space<hbm>>
      %dma_wait3A_31 = tpu.memref_squeeze %dma_wait3A_30 : memref<1x48x128xi32, #tpu.memory_space<hbm>> -> memref<48x128xi32, #tpu.memory_space<hbm>>
      %dma_wait3A_32 = arith.constant 0 : i32
      %dma_wait3A_33 = arith.constant 0 : i32
      %dma_wait3A_34 = tpu.memref_slice %arg3[%add3A, %dma_wait3A_32, %dma_wait3A_33] : memref<32x48x128xi32, #tpu.memory_space<hbm>> -> memref<1x48x128xi32, #tpu.memory_space<hbm>>
      %dma_wait3A_35 = tpu.memref_squeeze %dma_wait3A_34 : memref<1x48x128xi32, #tpu.memory_space<hbm>> -> memref<48x128xi32, #tpu.memory_space<hbm>>
      tpu.wait_dma2 semaphore(%run_scoped3A : memref<!tpu.dma_semaphore, #tpu.memory_space<semaphore_mem>>) src(%dma_wait3A_35 : memref<48x128xi32, #tpu.memory_space<hbm>>) dst(%arg5 : memref<48x128xi32, #tpu.memory_space<vmem>>)
      tpu.yield
    }) : () -> ()
    %dma_start3A = arith.constant 0 : i32
    %dma_start3A_3 = arith.constant 0 : i32
    %dma_start3A_4 = tpu.memref_slice %arg5[%dma_start3A, %dma_start3A_3] : memref<48x128xi32, #tpu.memory_space<vmem>> -> memref<1x128xi32, #tpu.memory_space<vmem>>
    %dma_start3A_5 = tpu.memref_squeeze %dma_start3A_4 : memref<1x128xi32, #tpu.memory_space<vmem>> -> memref<128xi32, #tpu.memory_space<vmem>>
    %dma_start3A_6 = arith.constant 0 : i32
    %dma_start3A_7 = arith.constant 0 : i32
    %dma_start3A_8 = tpu.memref_slice %arg2[%dma_start3A_6, %dma_start3A_7] : memref<1024x128xf32, #tpu.memory_space<hbm>> -> memref<1024x128xf32, #tpu.memory_space<hbm>>
    tpu.enqueue_indirect_dma source(%dma_start3A_8 : memref<1024x128xf32, #tpu.memory_space<hbm>>) target(%arg6 : memref<128x128xf32, #tpu.memory_space<vmem>>) offsets(%dma_start3A_5 : memref<128xi32, #tpu.memory_space<vmem>>) semaphore(%arg8 : memref<!tpu.dma_semaphore, #tpu.memory_space<semaphore_mem>>)
    %dma_start3A_9 = arith.constant 1 : i32
    %dma_start3A_10 = arith.constant 0 : i32
    %dma_start3A_11 = tpu.memref_slice %arg5[%dma_start3A_9, %dma_start3A_10] : memref<48x128xi32, #tpu.memory_space<vmem>> -> memref<1x128xi32, #tpu.memory_space<vmem>>
    %dma_start3A_12 = tpu.memref_squeeze %dma_start3A_11 : memref<1x128xi32, #tpu.memory_space<vmem>> -> memref<128xi32, #tpu.memory_space<vmem>>
    %dma_start3A_13 = arith.constant 0 : i32
    %dma_start3A_14 = arith.constant 0 : i32
    %dma_start3A_15 = tpu.memref_slice %arg2[%dma_start3A_13, %dma_start3A_14] : memref<1024x128xf32, #tpu.memory_space<hbm>> -> memref<1024x128xf32, #tpu.memory_space<hbm>>
    tpu.enqueue_indirect_dma source(%dma_start3A_15 : memref<1024x128xf32, #tpu.memory_space<hbm>>) target(%arg7 : memref<128x128xf32, #tpu.memory_space<vmem>>) offsets(%dma_start3A_12 : memref<128xi32, #tpu.memory_space<vmem>>) semaphore(%arg9 : memref<!tpu.dma_semaphore, #tpu.memory_space<semaphore_mem>>)
    %scan3A = arith.constant 0 : i32
    %scan3A_16 = arith.constant 0 : i32
    %scan3A_17 = arith.constant 24 : i32
    %scan3A_18 = arith.addi %scan3A_16, %scan3A_17 : i32
    %scan3A_19 = arith.constant 1 : i32
    scf.for %scan3A_21 = %scan3A_16 to %scan3A_18 step %scan3A_19  : i32 {
      %mul3A_22 = arith.constant 2 : i32
      %mul3A_23 = arith.muli %scan3A_21, %mul3A_22 : i32
      %add3A_24 = arith.constant 0 : i32
      %add3A_25 = arith.addi %mul3A_23, %add3A_24 : i32
      %dma_wait3A = arith.constant 0 : i32
      %dma_wait3A_26 = tpu.memref_slice %arg5[%add3A_25, %dma_wait3A] : memref<48x128xi32, #tpu.memory_space<vmem>> -> memref<1x128xi32, #tpu.memory_space<vmem>>
      %dma_wait3A_27 = tpu.memref_squeeze %dma_wait3A_26 : memref<1x128xi32, #tpu.memory_space<vmem>> -> memref<128xi32, #tpu.memory_space<vmem>>
      %dma_wait3A_28 = arith.constant 0 : i32
      %dma_wait3A_29 = arith.constant 0 : i32
      %dma_wait3A_30 = tpu.memref_slice %arg2[%dma_wait3A_28, %dma_wait3A_29] : memref<1024x128xf32, #tpu.memory_space<hbm>> -> memref<1024x128xf32, #tpu.memory_space<hbm>>
      tpu.wait_indirect_dma semaphore(%arg8 : memref<!tpu.dma_semaphore, #tpu.memory_space<semaphore_mem>>) src(%dma_wait3A_30 : memref<1024x128xf32, #tpu.memory_space<hbm>>) dst(%arg6 : memref<128x128xf32, #tpu.memory_space<vmem>>)
      %mul3A_31 = arith.constant 128 : i32
      %mul3A_32 = arith.muli %add3A_25, %mul3A_31 : i32
      %add3A_33 = arith.addi %mul3A_2, %mul3A_32 : i32
      "tpu.region"() ({
        %run_scoped3A = tpu.sem_alloc : memref<!tpu.dma_semaphore, #tpu.memory_space<semaphore_mem>>
        %dma_start3A_56 = arith.constant 0 : i32
        %dma_start3A_57 = tpu.memref_slice %arg4[%add3A_33, %dma_start3A_56] : memref<196608x128xf32, #tpu.memory_space<hbm>> -> memref<128x128xf32, #tpu.memory_space<hbm>>
        %dma_start3A_58 = arith.constant 0 : i32
        %dma_start3A_59 = tpu.memref_slice %arg4[%add3A_33, %dma_start3A_58] : memref<196608x128xf32, #tpu.memory_space<hbm>> -> memref<128x128xf32, #tpu.memory_space<hbm>>
        tpu.enqueue_dma source(%arg6 : memref<128x128xf32, #tpu.memory_space<vmem>>) target(%dma_start3A_59 : memref<128x128xf32, #tpu.memory_space<hbm>>) target_semaphore(%run_scoped3A : memref<!tpu.dma_semaphore, #tpu.memory_space<semaphore_mem>>)
        %dma_wait3A_60 = arith.constant 0 : i32
        %dma_wait3A_61 = tpu.memref_slice %arg4[%add3A_33, %dma_wait3A_60] : memref<196608x128xf32, #tpu.memory_space<hbm>> -> memref<128x128xf32, #tpu.memory_space<hbm>>
        %dma_wait3A_62 = arith.constant 0 : i32
        %dma_wait3A_63 = tpu.memref_slice %arg4[%add3A_33, %dma_wait3A_62] : memref<196608x128xf32, #tpu.memory_space<hbm>> -> memref<128x128xf32, #tpu.memory_space<hbm>>
        tpu.wait_dma2 semaphore(%run_scoped3A : memref<!tpu.dma_semaphore, #tpu.memory_space<semaphore_mem>>) src(%arg6 : memref<128x128xf32, #tpu.memory_space<vmem>>) dst(%dma_wait3A_63 : memref<128x128xf32, #tpu.memory_space<hbm>>)
        tpu.yield
      }) : () -> ()
      %add3A_34 = arith.constant 2 : i32
      %add3A_35 = arith.addi %add3A_25, %add3A_34 : i32
      %lt3A = arith.constant 48 : i32
      %lt3A_36 = arith.cmpi slt, %add3A_35, %lt3A : i32
      %convert_element_type3A = arith.extui %lt3A_36 : i1 to i32
      %cond3A = arith.constant 0 : i32
      %cond3A_37 = arith.cmpi ne, %convert_element_type3A, %cond3A : i32
      scf.if %cond3A_37 {
        %add3A_56 = arith.constant 2 : i32
        %add3A_57 = arith.addi %add3A_25, %add3A_56 : i32
        %dma_start3A_58 = arith.constant 0 : i32
        %dma_start3A_59 = tpu.memref_slice %arg5[%add3A_57, %dma_start3A_58] : memref<48x128xi32, #tpu.memory_space<vmem>> -> memref<1x128xi32, #tpu.memory_space<vmem>>
        %dma_start3A_60 = tpu.memref_squeeze %dma_start3A_59 : memref<1x128xi32, #tpu.memory_space<vmem>> -> memref<128xi32, #tpu.memory_space<vmem>>
        %dma_start3A_61 = arith.constant 0 : i32
        %dma_start3A_62 = arith.constant 0 : i32
        %dma_start3A_63 = tpu.memref_slice %arg2[%dma_start3A_61, %dma_start3A_62] : memref<1024x128xf32, #tpu.memory_space<hbm>> -> memref<1024x128xf32, #tpu.memory_space<hbm>>
        tpu.enqueue_indirect_dma source(%dma_start3A_63 : memref<1024x128xf32, #tpu.memory_space<hbm>>) target(%arg6 : memref<128x128xf32, #tpu.memory_space<vmem>>) offsets(%dma_start3A_60 : memref<128xi32, #tpu.memory_space<vmem>>) semaphore(%arg8 : memref<!tpu.dma_semaphore, #tpu.memory_space<semaphore_mem>>)
      } else {
      }
      %add3A_38 = arith.constant 1 : i32
      %add3A_39 = arith.addi %mul3A_23, %add3A_38 : i32
      %dma_wait3A_40 = arith.constant 0 : i32
      %dma_wait3A_41 = tpu.memref_slice %arg5[%add3A_39, %dma_wait3A_40] : memref<48x128xi32, #tpu.memory_space<vmem>> -> memref<1x128xi32, #tpu.memory_space<vmem>>
      %dma_wait3A_42 = tpu.memref_squeeze %dma_wait3A_41 : memref<1x128xi32, #tpu.memory_space<vmem>> -> memref<128xi32, #tpu.memory_space<vmem>>
      %dma_wait3A_43 = arith.constant 0 : i32
      %dma_wait3A_44 = arith.constant 0 : i32
      %dma_wait3A_45 = tpu.memref_slice %arg2[%dma_wait3A_43, %dma_wait3A_44] : memref<1024x128xf32, #tpu.memory_space<hbm>> -> memref<1024x128xf32, #tpu.memory_space<hbm>>
      tpu.wait_indirect_dma semaphore(%arg9 : memref<!tpu.dma_semaphore, #tpu.memory_space<semaphore_mem>>) src(%dma_wait3A_45 : memref<1024x128xf32, #tpu.memory_space<hbm>>) dst(%arg7 : memref<128x128xf32, #tpu.memory_space<vmem>>)
      %mul3A_46 = arith.constant 128 : i32
      %mul3A_47 = arith.muli %add3A_39, %mul3A_46 : i32
      %add3A_48 = arith.addi %mul3A_2, %mul3A_47 : i32
      "tpu.region"() ({
        %run_scoped3A = tpu.sem_alloc : memref<!tpu.dma_semaphore, #tpu.memory_space<semaphore_mem>>
        %dma_start3A_56 = arith.constant 0 : i32
        %dma_start3A_57 = tpu.memref_slice %arg4[%add3A_48, %dma_start3A_56] : memref<196608x128xf32, #tpu.memory_space<hbm>> -> memref<128x128xf32, #tpu.memory_space<hbm>>
        %dma_start3A_58 = arith.constant 0 : i32
        %dma_start3A_59 = tpu.memref_slice %arg4[%add3A_48, %dma_start3A_58] : memref<196608x128xf32, #tpu.memory_space<hbm>> -> memref<128x128xf32, #tpu.memory_space<hbm>>
        tpu.enqueue_dma source(%arg7 : memref<128x128xf32, #tpu.memory_space<vmem>>) target(%dma_start3A_59 : memref<128x128xf32, #tpu.memory_space<hbm>>) target_semaphore(%run_scoped3A : memref<!tpu.dma_semaphore, #tpu.memory_space<semaphore_mem>>)
        %dma_wait3A_60 = arith.constant 0 : i32
        %dma_wait3A_61 = tpu.memref_slice %arg4[%add3A_48, %dma_wait3A_60] : memref<196608x128xf32, #tpu.memory_space<hbm>> -> memref<128x128xf32, #tpu.memory_space<hbm>>
        %dma_wait3A_62 = arith.constant 0 : i32
        %dma_wait3A_63 = tpu.memref_slice %arg4[%add3A_48, %dma_wait3A_62] : memref<196608x128xf32, #tpu.memory_space<hbm>> -> memref<128x128xf32, #tpu.memory_space<hbm>>
        tpu.wait_dma2 semaphore(%run_scoped3A : memref<!tpu.dma_semaphore, #tpu.memory_space<semaphore_mem>>) src(%arg7 : memref<128x128xf32, #tpu.memory_space<vmem>>) dst(%dma_wait3A_63 : memref<128x128xf32, #tpu.memory_space<hbm>>)
        tpu.yield
      }) : () -> ()
      %add3A_49 = arith.constant 2 : i32
      %add3A_50 = arith.addi %add3A_39, %add3A_49 : i32
      %lt3A_51 = arith.constant 48 : i32
      %lt3A_52 = arith.cmpi slt, %add3A_50, %lt3A_51 : i32
      %convert_element_type3A_53 = arith.extui %lt3A_52 : i1 to i32
      %cond3A_54 = arith.constant 0 : i32
      %cond3A_55 = arith.cmpi ne, %convert_element_type3A_53, %cond3A_54 : i32
      scf.if %cond3A_55 {
        %add3A_56 = arith.constant 2 : i32
        %add3A_57 = arith.addi %add3A_39, %add3A_56 : i32
        %dma_start3A_58 = arith.constant 0 : i32
        %dma_start3A_59 = tpu.memref_slice %arg5[%add3A_57, %dma_start3A_58] : memref<48x128xi32, #tpu.memory_space<vmem>> -> memref<1x128xi32, #tpu.memory_space<vmem>>
        %dma_start3A_60 = tpu.memref_squeeze %dma_start3A_59 : memref<1x128xi32, #tpu.memory_space<vmem>> -> memref<128xi32, #tpu.memory_space<vmem>>
        %dma_start3A_61 = arith.constant 0 : i32
        %dma_start3A_62 = arith.constant 0 : i32
        %dma_start3A_63 = tpu.memref_slice %arg2[%dma_start3A_61, %dma_start3A_62] : memref<1024x128xf32, #tpu.memory_space<hbm>> -> memref<1024x128xf32, #tpu.memory_space<hbm>>
        tpu.enqueue_indirect_dma source(%dma_start3A_63 : memref<1024x128xf32, #tpu.memory_space<hbm>>) target(%arg7 : memref<128x128xf32, #tpu.memory_space<vmem>>) offsets(%dma_start3A_60 : memref<128xi32, #tpu.memory_space<vmem>>) semaphore(%arg9 : memref<!tpu.dma_semaphore, #tpu.memory_space<semaphore_mem>>)
      } else {
      }
    }
    %scan3A_20 = arith.constant 24 : i32
    return
  }
}

#map = affine_map<(d0, d1) -> (0, 0)>
#map1 = affine_map<(d0, d1) -> (0, 0, 0)>
module attributes {stable_mosaic.version = 14 : i64} {
  func.func @gather_kernel(%arg0: i32, %arg1: i32, %arg2: memref<1024x128xf32, #tpu.memory_space<hbm>>, %arg3: memref<32x24x128xi32, #tpu.memory_space<hbm>>, %arg4: memref<98304x128xf32, #tpu.memory_space<hbm>>, %arg5: memref<24x128xi32, #tpu.memory_space<vmem>>, %arg6: memref<128x128xf32, #tpu.memory_space<vmem>>, %arg7: memref<128x128xf32, #tpu.memory_space<vmem>>, %arg8: memref<!tpu.dma_semaphore, #tpu.memory_space<semaphore_mem>>, %arg9: memref<!tpu.dma_semaphore, #tpu.memory_space<semaphore_mem>>) attributes {dimension_semantics = [#tpu.dimension_semantics<core_parallel>, #tpu.dimension_semantics<subcore_parallel>], iteration_bounds = array<i64: 2, 16>, scalar_prefetch = 0 : i64, scratch_operands = 5 : i64, tpu.core_type = #tpu.core_type<sc_vector_subcore>, window_params = [{transform_indices = #map}, {transform_indices = #map1}, {transform_indices = #map}]} {
    %mul3A = arith.constant 2 : i32
    %mul3A_0 = arith.muli %arg1, %mul3A : i32
    %add3A = arith.addi %mul3A_0, %arg0 : i32
    %mul3A_1 = arith.constant 3072 : i32
    %mul3A_2 = arith.muli %add3A, %mul3A_1 : i32
    "tpu.region"() ({
      %run_scoped3A = tpu.sem_alloc : memref<!tpu.dma_semaphore, #tpu.memory_space<semaphore_mem>>
      %dma_start3A_21 = arith.constant 0 : i32
      %dma_start3A_22 = arith.constant 0 : i32
      %dma_start3A_23 = tpu.memref_slice %arg3[%add3A, %dma_start3A_21, %dma_start3A_22] : memref<32x24x128xi32, #tpu.memory_space<hbm>> -> memref<1x24x128xi32, #tpu.memory_space<hbm>>
      %dma_start3A_24 = tpu.memref_squeeze %dma_start3A_23 : memref<1x24x128xi32, #tpu.memory_space<hbm>> -> memref<24x128xi32, #tpu.memory_space<hbm>>
      %dma_start3A_25 = arith.constant 0 : i32
      %dma_start3A_26 = arith.constant 0 : i32
      %dma_start3A_27 = tpu.memref_slice %arg3[%add3A, %dma_start3A_25, %dma_start3A_26] : memref<32x24x128xi32, #tpu.memory_space<hbm>> -> memref<1x24x128xi32, #tpu.memory_space<hbm>>
      %dma_start3A_28 = tpu.memref_squeeze %dma_start3A_27 : memref<1x24x128xi32, #tpu.memory_space<hbm>> -> memref<24x128xi32, #tpu.memory_space<hbm>>
      tpu.enqueue_dma source(%dma_start3A_28 : memref<24x128xi32, #tpu.memory_space<hbm>>) target(%arg5 : memref<24x128xi32, #tpu.memory_space<vmem>>) target_semaphore(%run_scoped3A : memref<!tpu.dma_semaphore, #tpu.memory_space<semaphore_mem>>)
      %dma_wait3A = arith.constant 0 : i32
      %dma_wait3A_29 = arith.constant 0 : i32
      %dma_wait3A_30 = tpu.memref_slice %arg3[%add3A, %dma_wait3A, %dma_wait3A_29] : memref<32x24x128xi32, #tpu.memory_space<hbm>> -> memref<1x24x128xi32, #tpu.memory_space<hbm>>
      %dma_wait3A_31 = tpu.memref_squeeze %dma_wait3A_30 : memref<1x24x128xi32, #tpu.memory_space<hbm>> -> memref<24x128xi32, #tpu.memory_space<hbm>>
      %dma_wait3A_32 = arith.constant 0 : i32
      %dma_wait3A_33 = arith.constant 0 : i32
      %dma_wait3A_34 = tpu.memref_slice %arg3[%add3A, %dma_wait3A_32, %dma_wait3A_33] : memref<32x24x128xi32, #tpu.memory_space<hbm>> -> memref<1x24x128xi32, #tpu.memory_space<hbm>>
      %dma_wait3A_35 = tpu.memref_squeeze %dma_wait3A_34 : memref<1x24x128xi32, #tpu.memory_space<hbm>> -> memref<24x128xi32, #tpu.memory_space<hbm>>
      tpu.wait_dma2 semaphore(%run_scoped3A : memref<!tpu.dma_semaphore, #tpu.memory_space<semaphore_mem>>) src(%dma_wait3A_35 : memref<24x128xi32, #tpu.memory_space<hbm>>) dst(%arg5 : memref<24x128xi32, #tpu.memory_space<vmem>>)
      tpu.yield
    }) : () -> ()
    %dma_start3A = arith.constant 0 : i32
    %dma_start3A_3 = arith.constant 0 : i32
    %dma_start3A_4 = tpu.memref_slice %arg5[%dma_start3A, %dma_start3A_3] : memref<24x128xi32, #tpu.memory_space<vmem>> -> memref<1x128xi32, #tpu.memory_space<vmem>>
    %dma_start3A_5 = tpu.memref_squeeze %dma_start3A_4 : memref<1x128xi32, #tpu.memory_space<vmem>> -> memref<128xi32, #tpu.memory_space<vmem>>
    %dma_start3A_6 = arith.constant 0 : i32
    %dma_start3A_7 = arith.constant 0 : i32
    %dma_start3A_8 = tpu.memref_slice %arg2[%dma_start3A_6, %dma_start3A_7] : memref<1024x128xf32, #tpu.memory_space<hbm>> -> memref<1024x128xf32, #tpu.memory_space<hbm>>
    tpu.enqueue_indirect_dma source(%dma_start3A_8 : memref<1024x128xf32, #tpu.memory_space<hbm>>) target(%arg6 : memref<128x128xf32, #tpu.memory_space<vmem>>) offsets(%dma_start3A_5 : memref<128xi32, #tpu.memory_space<vmem>>) semaphore(%arg8 : memref<!tpu.dma_semaphore, #tpu.memory_space<semaphore_mem>>)
    %dma_start3A_9 = arith.constant 1 : i32
    %dma_start3A_10 = arith.constant 0 : i32
    %dma_start3A_11 = tpu.memref_slice %arg5[%dma_start3A_9, %dma_start3A_10] : memref<24x128xi32, #tpu.memory_space<vmem>> -> memref<1x128xi32, #tpu.memory_space<vmem>>
    %dma_start3A_12 = tpu.memref_squeeze %dma_start3A_11 : memref<1x128xi32, #tpu.memory_space<vmem>> -> memref<128xi32, #tpu.memory_space<vmem>>
    %dma_start3A_13 = arith.constant 0 : i32
    %dma_start3A_14 = arith.constant 0 : i32
    %dma_start3A_15 = tpu.memref_slice %arg2[%dma_start3A_13, %dma_start3A_14] : memref<1024x128xf32, #tpu.memory_space<hbm>> -> memref<1024x128xf32, #tpu.memory_space<hbm>>
    tpu.enqueue_indirect_dma source(%dma_start3A_15 : memref<1024x128xf32, #tpu.memory_space<hbm>>) target(%arg7 : memref<128x128xf32, #tpu.memory_space<vmem>>) offsets(%dma_start3A_12 : memref<128xi32, #tpu.memory_space<vmem>>) semaphore(%arg9 : memref<!tpu.dma_semaphore, #tpu.memory_space<semaphore_mem>>)
    %scan3A = arith.constant 0 : i32
    %scan3A_16 = arith.constant 0 : i32
    %scan3A_17 = arith.constant 12 : i32
    %scan3A_18 = arith.addi %scan3A_16, %scan3A_17 : i32
    %scan3A_19 = arith.constant 1 : i32
    scf.for %scan3A_21 = %scan3A_16 to %scan3A_18 step %scan3A_19  : i32 {
      %mul3A_22 = arith.constant 2 : i32
      %mul3A_23 = arith.muli %scan3A_21, %mul3A_22 : i32
      %add3A_24 = arith.constant 0 : i32
      %add3A_25 = arith.addi %mul3A_23, %add3A_24 : i32
      %dma_wait3A = arith.constant 0 : i32
      %dma_wait3A_26 = tpu.memref_slice %arg5[%add3A_25, %dma_wait3A] : memref<24x128xi32, #tpu.memory_space<vmem>> -> memref<1x128xi32, #tpu.memory_space<vmem>>
      %dma_wait3A_27 = tpu.memref_squeeze %dma_wait3A_26 : memref<1x128xi32, #tpu.memory_space<vmem>> -> memref<128xi32, #tpu.memory_space<vmem>>
      %dma_wait3A_28 = arith.constant 0 : i32
      %dma_wait3A_29 = arith.constant 0 : i32
      %dma_wait3A_30 = tpu.memref_slice %arg2[%dma_wait3A_28, %dma_wait3A_29] : memref<1024x128xf32, #tpu.memory_space<hbm>> -> memref<1024x128xf32, #tpu.memory_space<hbm>>
      tpu.wait_indirect_dma semaphore(%arg8 : memref<!tpu.dma_semaphore, #tpu.memory_space<semaphore_mem>>) src(%dma_wait3A_30 : memref<1024x128xf32, #tpu.memory_space<hbm>>) dst(%arg6 : memref<128x128xf32, #tpu.memory_space<vmem>>)
      %mul3A_31 = arith.constant 128 : i32
      %mul3A_32 = arith.muli %add3A_25, %mul3A_31 : i32
      %add3A_33 = arith.addi %mul3A_2, %mul3A_32 : i32
      "tpu.region"() ({
        %run_scoped3A = tpu.sem_alloc : memref<!tpu.dma_semaphore, #tpu.memory_space<semaphore_mem>>
        %dma_start3A_56 = arith.constant 0 : i32
        %dma_start3A_57 = tpu.memref_slice %arg4[%add3A_33, %dma_start3A_56] : memref<98304x128xf32, #tpu.memory_space<hbm>> -> memref<128x128xf32, #tpu.memory_space<hbm>>
        %dma_start3A_58 = arith.constant 0 : i32
        %dma_start3A_59 = tpu.memref_slice %arg4[%add3A_33, %dma_start3A_58] : memref<98304x128xf32, #tpu.memory_space<hbm>> -> memref<128x128xf32, #tpu.memory_space<hbm>>
        tpu.enqueue_dma source(%arg6 : memref<128x128xf32, #tpu.memory_space<vmem>>) target(%dma_start3A_59 : memref<128x128xf32, #tpu.memory_space<hbm>>) target_semaphore(%run_scoped3A : memref<!tpu.dma_semaphore, #tpu.memory_space<semaphore_mem>>)
        %dma_wait3A_60 = arith.constant 0 : i32
        %dma_wait3A_61 = tpu.memref_slice %arg4[%add3A_33, %dma_wait3A_60] : memref<98304x128xf32, #tpu.memory_space<hbm>> -> memref<128x128xf32, #tpu.memory_space<hbm>>
        %dma_wait3A_62 = arith.constant 0 : i32
        %dma_wait3A_63 = tpu.memref_slice %arg4[%add3A_33, %dma_wait3A_62] : memref<98304x128xf32, #tpu.memory_space<hbm>> -> memref<128x128xf32, #tpu.memory_space<hbm>>
        tpu.wait_dma2 semaphore(%run_scoped3A : memref<!tpu.dma_semaphore, #tpu.memory_space<semaphore_mem>>) src(%arg6 : memref<128x128xf32, #tpu.memory_space<vmem>>) dst(%dma_wait3A_63 : memref<128x128xf32, #tpu.memory_space<hbm>>)
        tpu.yield
      }) : () -> ()
      %add3A_34 = arith.constant 2 : i32
      %add3A_35 = arith.addi %add3A_25, %add3A_34 : i32
      %lt3A = arith.constant 24 : i32
      %lt3A_36 = arith.cmpi slt, %add3A_35, %lt3A : i32
      %convert_element_type3A = arith.extui %lt3A_36 : i1 to i32
      %cond3A = arith.constant 0 : i32
      %cond3A_37 = arith.cmpi ne, %convert_element_type3A, %cond3A : i32
      scf.if %cond3A_37 {
        %add3A_56 = arith.constant 2 : i32
        %add3A_57 = arith.addi %add3A_25, %add3A_56 : i32
        %dma_start3A_58 = arith.constant 0 : i32
        %dma_start3A_59 = tpu.memref_slice %arg5[%add3A_57, %dma_start3A_58] : memref<24x128xi32, #tpu.memory_space<vmem>> -> memref<1x128xi32, #tpu.memory_space<vmem>>
        %dma_start3A_60 = tpu.memref_squeeze %dma_start3A_59 : memref<1x128xi32, #tpu.memory_space<vmem>> -> memref<128xi32, #tpu.memory_space<vmem>>
        %dma_start3A_61 = arith.constant 0 : i32
        %dma_start3A_62 = arith.constant 0 : i32
        %dma_start3A_63 = tpu.memref_slice %arg2[%dma_start3A_61, %dma_start3A_62] : memref<1024x128xf32, #tpu.memory_space<hbm>> -> memref<1024x128xf32, #tpu.memory_space<hbm>>
        tpu.enqueue_indirect_dma source(%dma_start3A_63 : memref<1024x128xf32, #tpu.memory_space<hbm>>) target(%arg6 : memref<128x128xf32, #tpu.memory_space<vmem>>) offsets(%dma_start3A_60 : memref<128xi32, #tpu.memory_space<vmem>>) semaphore(%arg8 : memref<!tpu.dma_semaphore, #tpu.memory_space<semaphore_mem>>)
      } else {
      }
      %add3A_38 = arith.constant 1 : i32
      %add3A_39 = arith.addi %mul3A_23, %add3A_38 : i32
      %dma_wait3A_40 = arith.constant 0 : i32
      %dma_wait3A_41 = tpu.memref_slice %arg5[%add3A_39, %dma_wait3A_40] : memref<24x128xi32, #tpu.memory_space<vmem>> -> memref<1x128xi32, #tpu.memory_space<vmem>>
      %dma_wait3A_42 = tpu.memref_squeeze %dma_wait3A_41 : memref<1x128xi32, #tpu.memory_space<vmem>> -> memref<128xi32, #tpu.memory_space<vmem>>
      %dma_wait3A_43 = arith.constant 0 : i32
      %dma_wait3A_44 = arith.constant 0 : i32
      %dma_wait3A_45 = tpu.memref_slice %arg2[%dma_wait3A_43, %dma_wait3A_44] : memref<1024x128xf32, #tpu.memory_space<hbm>> -> memref<1024x128xf32, #tpu.memory_space<hbm>>
      tpu.wait_indirect_dma semaphore(%arg9 : memref<!tpu.dma_semaphore, #tpu.memory_space<semaphore_mem>>) src(%dma_wait3A_45 : memref<1024x128xf32, #tpu.memory_space<hbm>>) dst(%arg7 : memref<128x128xf32, #tpu.memory_space<vmem>>)
      %mul3A_46 = arith.constant 128 : i32
      %mul3A_47 = arith.muli %add3A_39, %mul3A_46 : i32
      %add3A_48 = arith.addi %mul3A_2, %mul3A_47 : i32
      "tpu.region"() ({
        %run_scoped3A = tpu.sem_alloc : memref<!tpu.dma_semaphore, #tpu.memory_space<semaphore_mem>>
        %dma_start3A_56 = arith.constant 0 : i32
        %dma_start3A_57 = tpu.memref_slice %arg4[%add3A_48, %dma_start3A_56] : memref<98304x128xf32, #tpu.memory_space<hbm>> -> memref<128x128xf32, #tpu.memory_space<hbm>>
        %dma_start3A_58 = arith.constant 0 : i32
        %dma_start3A_59 = tpu.memref_slice %arg4[%add3A_48, %dma_start3A_58] : memref<98304x128xf32, #tpu.memory_space<hbm>> -> memref<128x128xf32, #tpu.memory_space<hbm>>
        tpu.enqueue_dma source(%arg7 : memref<128x128xf32, #tpu.memory_space<vmem>>) target(%dma_start3A_59 : memref<128x128xf32, #tpu.memory_space<hbm>>) target_semaphore(%run_scoped3A : memref<!tpu.dma_semaphore, #tpu.memory_space<semaphore_mem>>)
        %dma_wait3A_60 = arith.constant 0 : i32
        %dma_wait3A_61 = tpu.memref_slice %arg4[%add3A_48, %dma_wait3A_60] : memref<98304x128xf32, #tpu.memory_space<hbm>> -> memref<128x128xf32, #tpu.memory_space<hbm>>
        %dma_wait3A_62 = arith.constant 0 : i32
        %dma_wait3A_63 = tpu.memref_slice %arg4[%add3A_48, %dma_wait3A_62] : memref<98304x128xf32, #tpu.memory_space<hbm>> -> memref<128x128xf32, #tpu.memory_space<hbm>>
        tpu.wait_dma2 semaphore(%run_scoped3A : memref<!tpu.dma_semaphore, #tpu.memory_space<semaphore_mem>>) src(%arg7 : memref<128x128xf32, #tpu.memory_space<vmem>>) dst(%dma_wait3A_63 : memref<128x128xf32, #tpu.memory_space<hbm>>)
        tpu.yield
      }) : () -> ()
      %add3A_49 = arith.constant 2 : i32
      %add3A_50 = arith.addi %add3A_39, %add3A_49 : i32
      %lt3A_51 = arith.constant 24 : i32
      %lt3A_52 = arith.cmpi slt, %add3A_50, %lt3A_51 : i32
      %convert_element_type3A_53 = arith.extui %lt3A_52 : i1 to i32
      %cond3A_54 = arith.constant 0 : i32
      %cond3A_55 = arith.cmpi ne, %convert_element_type3A_53, %cond3A_54 : i32
      scf.if %cond3A_55 {
        %add3A_56 = arith.constant 2 : i32
        %add3A_57 = arith.addi %add3A_39, %add3A_56 : i32
        %dma_start3A_58 = arith.constant 0 : i32
        %dma_start3A_59 = tpu.memref_slice %arg5[%add3A_57, %dma_start3A_58] : memref<24x128xi32, #tpu.memory_space<vmem>> -> memref<1x128xi32, #tpu.memory_space<vmem>>
        %dma_start3A_60 = tpu.memref_squeeze %dma_start3A_59 : memref<1x128xi32, #tpu.memory_space<vmem>> -> memref<128xi32, #tpu.memory_space<vmem>>
        %dma_start3A_61 = arith.constant 0 : i32
        %dma_start3A_62 = arith.constant 0 : i32
        %dma_start3A_63 = tpu.memref_slice %arg2[%dma_start3A_61, %dma_start3A_62] : memref<1024x128xf32, #tpu.memory_space<hbm>> -> memref<1024x128xf32, #tpu.memory_space<hbm>>
        tpu.enqueue_indirect_dma source(%dma_start3A_63 : memref<1024x128xf32, #tpu.memory_space<hbm>>) target(%arg7 : memref<128x128xf32, #tpu.memory_space<vmem>>) offsets(%dma_start3A_60 : memref<128xi32, #tpu.memory_space<vmem>>) semaphore(%arg9 : memref<!tpu.dma_semaphore, #tpu.memory_space<semaphore_mem>>)
      } else {
      }
    }
    %scan3A_20 = arith.constant 12 : i32
    return
  }
}

module attributes {stable_mosaic.version = 14 : i64} {
  func.func @body(%arg0: i32, %arg1: memref<2x16384xf32, #tpu.memory_space<vmem>>, %arg2: memref<16384x128xf32, #tpu.memory_space<vmem>>, %arg3: memref<2x256xbf16, #tpu.memory_space<vmem>>, %arg4: memref<128x256xbf16, #tpu.memory_space<vmem>>, %arg5: memref<1x256xbf16, #tpu.memory_space<vmem>>, %arg6: memref<256x256xbf16, #tpu.memory_space<vmem>>, %arg7: memref<1x256xbf16, #tpu.memory_space<vmem>>, %arg8: memref<256x256xbf16, #tpu.memory_space<vmem>>, %arg9: memref<1x256xbf16, #tpu.memory_space<vmem>>, %arg10: memref<256x256xbf16, #tpu.memory_space<vmem>>, %arg11: memref<1x256xbf16, #tpu.memory_space<vmem>>, %arg12: memref<256x3xbf16, #tpu.memory_space<vmem>>, %arg13: memref<3x1xf32, #tpu.memory_space<vmem>>, %arg14: memref<3x16384xf32, #tpu.memory_space<vmem>>) attributes {dimension_semantics = [#tpu.dimension_semantics<arbitrary>], iteration_bounds = array<i64: 2>, scalar_prefetch = 0 : i64, scratch_operands = 0 : i64, tpu.core_type = #tpu.core_type<tc>, window_params = [{transform_indices = @transform_0, window_bounds = array<i64: 2, 16384>}, {transform_indices = @transform_1, window_bounds = array<i64: 16384, 128>}, {pipeline_mode = #tpu.pipeline_mode<synchronous>, transform_indices = @transform_2, window_bounds = array<i64: 2, 256>}, {pipeline_mode = #tpu.pipeline_mode<synchronous>, transform_indices = @transform_3, window_bounds = array<i64: 128, 256>}, {pipeline_mode = #tpu.pipeline_mode<synchronous>, transform_indices = @transform_4, window_bounds = array<i64: 1, 256>}, {pipeline_mode = #tpu.pipeline_mode<synchronous>, transform_indices = @transform_5, window_bounds = array<i64: 256, 256>}, {pipeline_mode = #tpu.pipeline_mode<synchronous>, transform_indices = @transform_6, window_bounds = array<i64: 1, 256>}, {pipeline_mode = #tpu.pipeline_mode<synchronous>, transform_indices = @transform_7, window_bounds = array<i64: 256, 256>}, {pipeline_mode = #tpu.pipeline_mode<synchronous>, transform_indices = @transform_8, window_bounds = array<i64: 1, 256>}, {pipeline_mode = #tpu.pipeline_mode<synchronous>, transform_indices = @transform_9, window_bounds = array<i64: 256, 256>}, {pipeline_mode = #tpu.pipeline_mode<synchronous>, transform_indices = @transform_10, window_bounds = array<i64: 1, 256>}, {pipeline_mode = #tpu.pipeline_mode<synchronous>, transform_indices = @transform_11, window_bounds = array<i64: 256, 3>}, {pipeline_mode = #tpu.pipeline_mode<synchronous>, transform_indices = @transform_12, window_bounds = array<i64: 3, 1>}, {transform_indices = @transform_13, window_bounds = array<i64: 3, 16384>}]} {
    %get3A = arith.constant 0 : index
    %get3A_0 = arith.constant 0 : index
    %get3A_1 = vector.load %arg1[%get3A, %get3A_0] : memref<2x16384xf32, #tpu.memory_space<vmem>>, vector<2x16384xf32>
    %convert_element_type3A = arith.truncf %get3A_1 : vector<2x16384xf32> to vector<2x16384xbf16>
    %get3A_2 = arith.constant 0 : index
    %get3A_3 = arith.constant 0 : index
    %get3A_4 = vector.load %arg3[%get3A_2, %get3A_3] : memref<2x256xbf16, #tpu.memory_space<vmem>>, vector<2x256xbf16>
    %dot_general3A = arith.constant dense<0.000000e+00> : vector<16384x256xf32>
    %dot_general3A_5 = tpu.matmul %convert_element_type3A, %get3A_4, %dot_general3A {dimension_numbers = #tpu.dot_dimension_numbers<[0], [0], [1], [1], [0, 1, 1, 1], [], []>, transpose_lhs_hint = false} : vector<2x16384xbf16>, vector<2x256xbf16>, vector<16384x256xf32> -> vector<16384x256xf32>
    %get3A_6 = arith.constant 0 : index
    %get3A_7 = arith.constant 0 : index
    %get3A_8 = vector.load %arg2[%get3A_6, %get3A_7] : memref<16384x128xf32, #tpu.memory_space<vmem>>, vector<16384x128xf32>
    %convert_element_type3A_9 = arith.truncf %get3A_8 : vector<16384x128xf32> to vector<16384x128xbf16>
    %get3A_10 = arith.constant 0 : index
    %get3A_11 = arith.constant 0 : index
    %get3A_12 = vector.load %arg4[%get3A_10, %get3A_11] : memref<128x256xbf16, #tpu.memory_space<vmem>>, vector<128x256xbf16>
    %dot_general3A_13 = arith.constant dense<0.000000e+00> : vector<16384x256xf32>
    %dot_general3A_14 = tpu.matmul %convert_element_type3A_9, %get3A_12, %dot_general3A_13 {dimension_numbers = #tpu.dot_dimension_numbers<[1], [0], [0], [1], [0, 0, 1, 1], [], []>, transpose_lhs_hint = false} : vector<16384x128xbf16>, vector<128x256xbf16>, vector<16384x256xf32> -> vector<16384x256xf32>
    %add3A = arith.addf %dot_general3A_5, %dot_general3A_14 : vector<16384x256xf32>
    %convert_element_type3A_15 = arith.truncf %add3A : vector<16384x256xf32> to vector<16384x256xbf16>
    %get3A_16 = arith.constant 0 : index
    %get3A_17 = arith.constant 0 : index
    %get3A_18 = vector.load %arg5[%get3A_16, %get3A_17] : memref<1x256xbf16, #tpu.memory_space<vmem>>, vector<1x256xbf16>
    %add3A_19 = vector.broadcast %get3A_18 : vector<1x256xbf16> to vector<16384x256xbf16>
    %add3A_20 = arith.addf %convert_element_type3A_15, %add3A_19 : vector<16384x256xbf16>
    %max3A = arith.constant 0.000000e+00 : bf16
    %max3A_21 = vector.broadcast %max3A : bf16 to vector<16384x256xbf16>
    %max3A_22 = arith.maximumf %add3A_20, %max3A_21 : vector<16384x256xbf16>
    %get3A_23 = arith.constant 0 : index
    %get3A_24 = arith.constant 0 : index
    %get3A_25 = vector.load %arg6[%get3A_23, %get3A_24] : memref<256x256xbf16, #tpu.memory_space<vmem>>, vector<256x256xbf16>
    %dot_general3A_26 = arith.constant dense<0.000000e+00> : vector<16384x256xf32>
    %dot_general3A_27 = tpu.matmul %max3A_22, %get3A_25, %dot_general3A_26 {dimension_numbers = #tpu.dot_dimension_numbers<[1], [0], [0], [1], [0, 0, 1, 1], [], []>, transpose_lhs_hint = false} : vector<16384x256xbf16>, vector<256x256xbf16>, vector<16384x256xf32> -> vector<16384x256xf32>
    %convert_element_type3A_28 = arith.truncf %dot_general3A_27 : vector<16384x256xf32> to vector<16384x256xbf16>
    %get3A_29 = arith.constant 0 : index
    %get3A_30 = arith.constant 0 : index
    %get3A_31 = vector.load %arg7[%get3A_29, %get3A_30] : memref<1x256xbf16, #tpu.memory_space<vmem>>, vector<1x256xbf16>
    %add3A_32 = vector.broadcast %get3A_31 : vector<1x256xbf16> to vector<16384x256xbf16>
    %add3A_33 = arith.addf %convert_element_type3A_28, %add3A_32 : vector<16384x256xbf16>
    %max3A_34 = arith.constant 0.000000e+00 : bf16
    %max3A_35 = vector.broadcast %max3A_34 : bf16 to vector<16384x256xbf16>
    %max3A_36 = arith.maximumf %add3A_33, %max3A_35 : vector<16384x256xbf16>
    %get3A_37 = arith.constant 0 : index
    %get3A_38 = arith.constant 0 : index
    %get3A_39 = vector.load %arg8[%get3A_37, %get3A_38] : memref<256x256xbf16, #tpu.memory_space<vmem>>, vector<256x256xbf16>
    %dot_general3A_40 = arith.constant dense<0.000000e+00> : vector<16384x256xf32>
    %dot_general3A_41 = tpu.matmul %max3A_36, %get3A_39, %dot_general3A_40 {dimension_numbers = #tpu.dot_dimension_numbers<[1], [0], [0], [1], [0, 0, 1, 1], [], []>, transpose_lhs_hint = false} : vector<16384x256xbf16>, vector<256x256xbf16>, vector<16384x256xf32> -> vector<16384x256xf32>
    %convert_element_type3A_42 = arith.truncf %dot_general3A_41 : vector<16384x256xf32> to vector<16384x256xbf16>
    %get3A_43 = arith.constant 0 : index
    %get3A_44 = arith.constant 0 : index
    %get3A_45 = vector.load %arg9[%get3A_43, %get3A_44] : memref<1x256xbf16, #tpu.memory_space<vmem>>, vector<1x256xbf16>
    %add3A_46 = vector.broadcast %get3A_45 : vector<1x256xbf16> to vector<16384x256xbf16>
    %add3A_47 = arith.addf %convert_element_type3A_42, %add3A_46 : vector<16384x256xbf16>
    %max3A_48 = arith.constant 0.000000e+00 : bf16
    %max3A_49 = vector.broadcast %max3A_48 : bf16 to vector<16384x256xbf16>
    %max3A_50 = arith.maximumf %add3A_47, %max3A_49 : vector<16384x256xbf16>
    %get3A_51 = arith.constant 0 : index
    %get3A_52 = arith.constant 0 : index
    %get3A_53 = vector.load %arg10[%get3A_51, %get3A_52] : memref<256x256xbf16, #tpu.memory_space<vmem>>, vector<256x256xbf16>
    %dot_general3A_54 = arith.constant dense<0.000000e+00> : vector<16384x256xf32>
    %dot_general3A_55 = tpu.matmul %max3A_50, %get3A_53, %dot_general3A_54 {dimension_numbers = #tpu.dot_dimension_numbers<[1], [0], [0], [1], [0, 0, 1, 1], [], []>, transpose_lhs_hint = false} : vector<16384x256xbf16>, vector<256x256xbf16>, vector<16384x256xf32> -> vector<16384x256xf32>
    %convert_element_type3A_56 = arith.truncf %dot_general3A_55 : vector<16384x256xf32> to vector<16384x256xbf16>
    %get3A_57 = arith.constant 0 : index
    %get3A_58 = arith.constant 0 : index
    %get3A_59 = vector.load %arg11[%get3A_57, %get3A_58] : memref<1x256xbf16, #tpu.memory_space<vmem>>, vector<1x256xbf16>
    %add3A_60 = vector.broadcast %get3A_59 : vector<1x256xbf16> to vector<16384x256xbf16>
    %add3A_61 = arith.addf %convert_element_type3A_56, %add3A_60 : vector<16384x256xbf16>
    %max3A_62 = arith.constant 0.000000e+00 : bf16
    %max3A_63 = vector.broadcast %max3A_62 : bf16 to vector<16384x256xbf16>
    %max3A_64 = arith.maximumf %add3A_61, %max3A_63 : vector<16384x256xbf16>
    %get3A_65 = arith.constant 0 : index
    %get3A_66 = arith.constant 0 : index
    %get3A_67 = vector.load %arg12[%get3A_65, %get3A_66] : memref<256x3xbf16, #tpu.memory_space<vmem>>, vector<256x3xbf16>
    %dot_general3A_68 = arith.constant dense<0.000000e+00> : vector<3x16384xf32>
    %dot_general3A_69 = tpu.matmul %get3A_67, %max3A_64, %dot_general3A_68 {dimension_numbers = #tpu.dot_dimension_numbers<[0], [1], [1], [0], [0, 1, 1, 0], [], []>, transpose_lhs_hint = false} : vector<256x3xbf16>, vector<16384x256xbf16>, vector<3x16384xf32> -> vector<3x16384xf32>
    %get3A_70 = arith.constant 0 : index
    %get3A_71 = arith.constant 0 : index
    %get3A_72 = vector.load %arg13[%get3A_70, %get3A_71] : memref<3x1xf32, #tpu.memory_space<vmem>>, vector<3x1xf32>
    %add3A_73 = vector.broadcast %get3A_72 : vector<3x1xf32> to vector<3x16384xf32>
    %add3A_74 = arith.addf %dot_general3A_69, %add3A_73 : vector<3x16384xf32>
    %logistic3A = arith.negf %add3A_74 : vector<3x16384xf32>
    %logistic3A_75 = math.exp %logistic3A : vector<3x16384xf32>
    %logistic3A_76 = arith.constant 1.000000e+00 : f32
    %logistic3A_77 = vector.broadcast %logistic3A_76 : f32 to vector<3x16384xf32>
    %logistic3A_78 = arith.addf %logistic3A_77, %logistic3A_75 : vector<3x16384xf32>
    %logistic3A_79 = arith.divf %logistic3A_77, %logistic3A_78 : vector<3x16384xf32>
    %swap3A = arith.constant 0 : index
    %swap3A_80 = arith.constant 0 : index
    %swap3A_81 = vector.load %arg14[%swap3A, %swap3A_80] : memref<3x16384xf32, #tpu.memory_space<vmem>>, vector<3x16384xf32>
    tpu.vector_store %arg14[%swap3A, %swap3A_80], %logistic3A_79 {strides = array<i32>} : memref<3x16384xf32, #tpu.memory_space<vmem>>, vector<3x16384xf32>,
    return
  }
  func.func @transform_0(%arg0: i32) -> (i32, i32) {
    %c0_i32 = arith.constant 0 : i32
    %c0_i32_0 = arith.constant 0 : i32
    return %c0_i32, %arg0 : i32, i32
  }
  func.func @transform_1(%arg0: i32) -> (i32, i32) {
    %c0_i32 = arith.constant 0 : i32
    %c0_i32_0 = arith.constant 0 : i32
    return %arg0, %c0_i32 : i32, i32
  }
  func.func @transform_2(%arg0: i32) -> (i32, i32) {
    %c0_i32 = arith.constant 0 : i32
    %c0_i32_0 = arith.constant 0 : i32
    %c0_i32_1 = arith.constant 0 : i32
    return %c0_i32, %c0_i32_0 : i32, i32
  }
  func.func @transform_3(%arg0: i32) -> (i32, i32) {
    %c0_i32 = arith.constant 0 : i32
    %c0_i32_0 = arith.constant 0 : i32
    %c0_i32_1 = arith.constant 0 : i32
    return %c0_i32, %c0_i32_0 : i32, i32
  }
  func.func @transform_4(%arg0: i32) -> (i32, i32) {
    %c0_i32 = arith.constant 0 : i32
    %c0_i32_0 = arith.constant 0 : i32
    %c0_i32_1 = arith.constant 0 : i32
    return %c0_i32, %c0_i32_0 : i32, i32
  }
  func.func @transform_5(%arg0: i32) -> (i32, i32) {
    %c0_i32 = arith.constant 0 : i32
    %c0_i32_0 = arith.constant 0 : i32
    %c0_i32_1 = arith.constant 0 : i32
    return %c0_i32, %c0_i32_0 : i32, i32
  }
  func.func @transform_6(%arg0: i32) -> (i32, i32) {
    %c0_i32 = arith.constant 0 : i32
    %c0_i32_0 = arith.constant 0 : i32
    %c0_i32_1 = arith.constant 0 : i32
    return %c0_i32, %c0_i32_0 : i32, i32
  }
  func.func @transform_7(%arg0: i32) -> (i32, i32) {
    %c0_i32 = arith.constant 0 : i32
    %c0_i32_0 = arith.constant 0 : i32
    %c0_i32_1 = arith.constant 0 : i32
    return %c0_i32, %c0_i32_0 : i32, i32
  }
  func.func @transform_8(%arg0: i32) -> (i32, i32) {
    %c0_i32 = arith.constant 0 : i32
    %c0_i32_0 = arith.constant 0 : i32
    %c0_i32_1 = arith.constant 0 : i32
    return %c0_i32, %c0_i32_0 : i32, i32
  }
  func.func @transform_9(%arg0: i32) -> (i32, i32) {
    %c0_i32 = arith.constant 0 : i32
    %c0_i32_0 = arith.constant 0 : i32
    %c0_i32_1 = arith.constant 0 : i32
    return %c0_i32, %c0_i32_0 : i32, i32
  }
  func.func @transform_10(%arg0: i32) -> (i32, i32) {
    %c0_i32 = arith.constant 0 : i32
    %c0_i32_0 = arith.constant 0 : i32
    %c0_i32_1 = arith.constant 0 : i32
    return %c0_i32, %c0_i32_0 : i32, i32
  }
  func.func @transform_11(%arg0: i32) -> (i32, i32) {
    %c0_i32 = arith.constant 0 : i32
    %c0_i32_0 = arith.constant 0 : i32
    %c0_i32_1 = arith.constant 0 : i32
    return %c0_i32, %c0_i32_0 : i32, i32
  }
  func.func @transform_12(%arg0: i32) -> (i32, i32) {
    %c0_i32 = arith.constant 0 : i32
    %c0_i32_0 = arith.constant 0 : i32
    %c0_i32_1 = arith.constant 0 : i32
    return %c0_i32, %c0_i32_0 : i32, i32
  }
  func.func @transform_13(%arg0: i32) -> (i32, i32) {
    %c0_i32 = arith.constant 0 : i32
    %c0_i32_0 = arith.constant 0 : i32
    return %c0_i32, %arg0 : i32, i32
  }
}

module attributes {stable_mosaic.version = 14 : i64} {
  func.func @body(%arg0: i32, %arg1: memref<2x16384xf32, #tpu.memory_space<vmem>>, %arg2: memref<16384x128xf32, #tpu.memory_space<vmem>>, %arg3: memref<2x256xbf16, #tpu.memory_space<vmem>>, %arg4: memref<128x256xbf16, #tpu.memory_space<vmem>>, %arg5: memref<1x256xbf16, #tpu.memory_space<vmem>>, %arg6: memref<256x256xbf16, #tpu.memory_space<vmem>>, %arg7: memref<1x256xbf16, #tpu.memory_space<vmem>>, %arg8: memref<256x256xbf16, #tpu.memory_space<vmem>>, %arg9: memref<1x256xbf16, #tpu.memory_space<vmem>>, %arg10: memref<256x256xbf16, #tpu.memory_space<vmem>>, %arg11: memref<1x256xbf16, #tpu.memory_space<vmem>>, %arg12: memref<256x3xbf16, #tpu.memory_space<vmem>>, %arg13: memref<3x1xf32, #tpu.memory_space<vmem>>, %arg14: memref<3x16384xf32, #tpu.memory_space<vmem>>) attributes {dimension_semantics = [#tpu.dimension_semantics<arbitrary>], iteration_bounds = array<i64: 6>, scalar_prefetch = 0 : i64, scratch_operands = 0 : i64, tpu.core_type = #tpu.core_type<tc>, window_params = [{transform_indices = @transform_0, window_bounds = array<i64: 2, 16384>}, {transform_indices = @transform_1, window_bounds = array<i64: 16384, 128>}, {pipeline_mode = #tpu.pipeline_mode<synchronous>, transform_indices = @transform_2, window_bounds = array<i64: 2, 256>}, {pipeline_mode = #tpu.pipeline_mode<synchronous>, transform_indices = @transform_3, window_bounds = array<i64: 128, 256>}, {pipeline_mode = #tpu.pipeline_mode<synchronous>, transform_indices = @transform_4, window_bounds = array<i64: 1, 256>}, {pipeline_mode = #tpu.pipeline_mode<synchronous>, transform_indices = @transform_5, window_bounds = array<i64: 256, 256>}, {pipeline_mode = #tpu.pipeline_mode<synchronous>, transform_indices = @transform_6, window_bounds = array<i64: 1, 256>}, {pipeline_mode = #tpu.pipeline_mode<synchronous>, transform_indices = @transform_7, window_bounds = array<i64: 256, 256>}, {pipeline_mode = #tpu.pipeline_mode<synchronous>, transform_indices = @transform_8, window_bounds = array<i64: 1, 256>}, {pipeline_mode = #tpu.pipeline_mode<synchronous>, transform_indices = @transform_9, window_bounds = array<i64: 256, 256>}, {pipeline_mode = #tpu.pipeline_mode<synchronous>, transform_indices = @transform_10, window_bounds = array<i64: 1, 256>}, {pipeline_mode = #tpu.pipeline_mode<synchronous>, transform_indices = @transform_11, window_bounds = array<i64: 256, 3>}, {pipeline_mode = #tpu.pipeline_mode<synchronous>, transform_indices = @transform_12, window_bounds = array<i64: 3, 1>}, {transform_indices = @transform_13, window_bounds = array<i64: 3, 16384>}]} {
    %get3A = arith.constant 0 : index
    %get3A_0 = arith.constant 0 : index
    %get3A_1 = vector.load %arg1[%get3A, %get3A_0] : memref<2x16384xf32, #tpu.memory_space<vmem>>, vector<2x16384xf32>
    %convert_element_type3A = arith.truncf %get3A_1 : vector<2x16384xf32> to vector<2x16384xbf16>
    %get3A_2 = arith.constant 0 : index
    %get3A_3 = arith.constant 0 : index
    %get3A_4 = vector.load %arg3[%get3A_2, %get3A_3] : memref<2x256xbf16, #tpu.memory_space<vmem>>, vector<2x256xbf16>
    %dot_general3A = arith.constant dense<0.000000e+00> : vector<16384x256xf32>
    %dot_general3A_5 = tpu.matmul %convert_element_type3A, %get3A_4, %dot_general3A {dimension_numbers = #tpu.dot_dimension_numbers<[0], [0], [1], [1], [0, 1, 1, 1], [], []>, transpose_lhs_hint = false} : vector<2x16384xbf16>, vector<2x256xbf16>, vector<16384x256xf32> -> vector<16384x256xf32>
    %get3A_6 = arith.constant 0 : index
    %get3A_7 = arith.constant 0 : index
    %get3A_8 = vector.load %arg2[%get3A_6, %get3A_7] : memref<16384x128xf32, #tpu.memory_space<vmem>>, vector<16384x128xf32>
    %convert_element_type3A_9 = arith.truncf %get3A_8 : vector<16384x128xf32> to vector<16384x128xbf16>
    %get3A_10 = arith.constant 0 : index
    %get3A_11 = arith.constant 0 : index
    %get3A_12 = vector.load %arg4[%get3A_10, %get3A_11] : memref<128x256xbf16, #tpu.memory_space<vmem>>, vector<128x256xbf16>
    %dot_general3A_13 = arith.constant dense<0.000000e+00> : vector<16384x256xf32>
    %dot_general3A_14 = tpu.matmul %convert_element_type3A_9, %get3A_12, %dot_general3A_13 {dimension_numbers = #tpu.dot_dimension_numbers<[1], [0], [0], [1], [0, 0, 1, 1], [], []>, transpose_lhs_hint = false} : vector<16384x128xbf16>, vector<128x256xbf16>, vector<16384x256xf32> -> vector<16384x256xf32>
    %add3A = arith.addf %dot_general3A_5, %dot_general3A_14 : vector<16384x256xf32>
    %convert_element_type3A_15 = arith.truncf %add3A : vector<16384x256xf32> to vector<16384x256xbf16>
    %get3A_16 = arith.constant 0 : index
    %get3A_17 = arith.constant 0 : index
    %get3A_18 = vector.load %arg5[%get3A_16, %get3A_17] : memref<1x256xbf16, #tpu.memory_space<vmem>>, vector<1x256xbf16>
    %add3A_19 = vector.broadcast %get3A_18 : vector<1x256xbf16> to vector<16384x256xbf16>
    %add3A_20 = arith.addf %convert_element_type3A_15, %add3A_19 : vector<16384x256xbf16>
    %max3A = arith.constant 0.000000e+00 : bf16
    %max3A_21 = vector.broadcast %max3A : bf16 to vector<16384x256xbf16>
    %max3A_22 = arith.maximumf %add3A_20, %max3A_21 : vector<16384x256xbf16>
    %get3A_23 = arith.constant 0 : index
    %get3A_24 = arith.constant 0 : index
    %get3A_25 = vector.load %arg6[%get3A_23, %get3A_24] : memref<256x256xbf16, #tpu.memory_space<vmem>>, vector<256x256xbf16>
    %dot_general3A_26 = arith.constant dense<0.000000e+00> : vector<16384x256xf32>
    %dot_general3A_27 = tpu.matmul %max3A_22, %get3A_25, %dot_general3A_26 {dimension_numbers = #tpu.dot_dimension_numbers<[1], [0], [0], [1], [0, 0, 1, 1], [], []>, transpose_lhs_hint = false} : vector<16384x256xbf16>, vector<256x256xbf16>, vector<16384x256xf32> -> vector<16384x256xf32>
    %convert_element_type3A_28 = arith.truncf %dot_general3A_27 : vector<16384x256xf32> to vector<16384x256xbf16>
    %get3A_29 = arith.constant 0 : index
    %get3A_30 = arith.constant 0 : index
    %get3A_31 = vector.load %arg7[%get3A_29, %get3A_30] : memref<1x256xbf16, #tpu.memory_space<vmem>>, vector<1x256xbf16>
    %add3A_32 = vector.broadcast %get3A_31 : vector<1x256xbf16> to vector<16384x256xbf16>
    %add3A_33 = arith.addf %convert_element_type3A_28, %add3A_32 : vector<16384x256xbf16>
    %max3A_34 = arith.constant 0.000000e+00 : bf16
    %max3A_35 = vector.broadcast %max3A_34 : bf16 to vector<16384x256xbf16>
    %max3A_36 = arith.maximumf %add3A_33, %max3A_35 : vector<16384x256xbf16>
    %get3A_37 = arith.constant 0 : index
    %get3A_38 = arith.constant 0 : index
    %get3A_39 = vector.load %arg8[%get3A_37, %get3A_38] : memref<256x256xbf16, #tpu.memory_space<vmem>>, vector<256x256xbf16>
    %dot_general3A_40 = arith.constant dense<0.000000e+00> : vector<16384x256xf32>
    %dot_general3A_41 = tpu.matmul %max3A_36, %get3A_39, %dot_general3A_40 {dimension_numbers = #tpu.dot_dimension_numbers<[1], [0], [0], [1], [0, 0, 1, 1], [], []>, transpose_lhs_hint = false} : vector<16384x256xbf16>, vector<256x256xbf16>, vector<16384x256xf32> -> vector<16384x256xf32>
    %convert_element_type3A_42 = arith.truncf %dot_general3A_41 : vector<16384x256xf32> to vector<16384x256xbf16>
    %get3A_43 = arith.constant 0 : index
    %get3A_44 = arith.constant 0 : index
    %get3A_45 = vector.load %arg9[%get3A_43, %get3A_44] : memref<1x256xbf16, #tpu.memory_space<vmem>>, vector<1x256xbf16>
    %add3A_46 = vector.broadcast %get3A_45 : vector<1x256xbf16> to vector<16384x256xbf16>
    %add3A_47 = arith.addf %convert_element_type3A_42, %add3A_46 : vector<16384x256xbf16>
    %max3A_48 = arith.constant 0.000000e+00 : bf16
    %max3A_49 = vector.broadcast %max3A_48 : bf16 to vector<16384x256xbf16>
    %max3A_50 = arith.maximumf %add3A_47, %max3A_49 : vector<16384x256xbf16>
    %get3A_51 = arith.constant 0 : index
    %get3A_52 = arith.constant 0 : index
    %get3A_53 = vector.load %arg10[%get3A_51, %get3A_52] : memref<256x256xbf16, #tpu.memory_space<vmem>>, vector<256x256xbf16>
    %dot_general3A_54 = arith.constant dense<0.000000e+00> : vector<16384x256xf32>
    %dot_general3A_55 = tpu.matmul %max3A_50, %get3A_53, %dot_general3A_54 {dimension_numbers = #tpu.dot_dimension_numbers<[1], [0], [0], [1], [0, 0, 1, 1], [], []>, transpose_lhs_hint = false} : vector<16384x256xbf16>, vector<256x256xbf16>, vector<16384x256xf32> -> vector<16384x256xf32>
    %convert_element_type3A_56 = arith.truncf %dot_general3A_55 : vector<16384x256xf32> to vector<16384x256xbf16>
    %get3A_57 = arith.constant 0 : index
    %get3A_58 = arith.constant 0 : index
    %get3A_59 = vector.load %arg11[%get3A_57, %get3A_58] : memref<1x256xbf16, #tpu.memory_space<vmem>>, vector<1x256xbf16>
    %add3A_60 = vector.broadcast %get3A_59 : vector<1x256xbf16> to vector<16384x256xbf16>
    %add3A_61 = arith.addf %convert_element_type3A_56, %add3A_60 : vector<16384x256xbf16>
    %max3A_62 = arith.constant 0.000000e+00 : bf16
    %max3A_63 = vector.broadcast %max3A_62 : bf16 to vector<16384x256xbf16>
    %max3A_64 = arith.maximumf %add3A_61, %max3A_63 : vector<16384x256xbf16>
    %get3A_65 = arith.constant 0 : index
    %get3A_66 = arith.constant 0 : index
    %get3A_67 = vector.load %arg12[%get3A_65, %get3A_66] : memref<256x3xbf16, #tpu.memory_space<vmem>>, vector<256x3xbf16>
    %dot_general3A_68 = arith.constant dense<0.000000e+00> : vector<3x16384xf32>
    %dot_general3A_69 = tpu.matmul %get3A_67, %max3A_64, %dot_general3A_68 {dimension_numbers = #tpu.dot_dimension_numbers<[0], [1], [1], [0], [0, 1, 1, 0], [], []>, transpose_lhs_hint = false} : vector<256x3xbf16>, vector<16384x256xbf16>, vector<3x16384xf32> -> vector<3x16384xf32>
    %get3A_70 = arith.constant 0 : index
    %get3A_71 = arith.constant 0 : index
    %get3A_72 = vector.load %arg13[%get3A_70, %get3A_71] : memref<3x1xf32, #tpu.memory_space<vmem>>, vector<3x1xf32>
    %add3A_73 = vector.broadcast %get3A_72 : vector<3x1xf32> to vector<3x16384xf32>
    %add3A_74 = arith.addf %dot_general3A_69, %add3A_73 : vector<3x16384xf32>
    %logistic3A = arith.negf %add3A_74 : vector<3x16384xf32>
    %logistic3A_75 = math.exp %logistic3A : vector<3x16384xf32>
    %logistic3A_76 = arith.constant 1.000000e+00 : f32
    %logistic3A_77 = vector.broadcast %logistic3A_76 : f32 to vector<3x16384xf32>
    %logistic3A_78 = arith.addf %logistic3A_77, %logistic3A_75 : vector<3x16384xf32>
    %logistic3A_79 = arith.divf %logistic3A_77, %logistic3A_78 : vector<3x16384xf32>
    %swap3A = arith.constant 0 : index
    %swap3A_80 = arith.constant 0 : index
    %swap3A_81 = vector.load %arg14[%swap3A, %swap3A_80] : memref<3x16384xf32, #tpu.memory_space<vmem>>, vector<3x16384xf32>
    tpu.vector_store %arg14[%swap3A, %swap3A_80], %logistic3A_79 {strides = array<i32>} : memref<3x16384xf32, #tpu.memory_space<vmem>>, vector<3x16384xf32>,
    return
  }
  func.func @transform_0(%arg0: i32) -> (i32, i32) {
    %c0_i32 = arith.constant 0 : i32
    %c0_i32_0 = arith.constant 0 : i32
    return %c0_i32, %arg0 : i32, i32
  }
  func.func @transform_1(%arg0: i32) -> (i32, i32) {
    %c0_i32 = arith.constant 0 : i32
    %c0_i32_0 = arith.constant 0 : i32
    return %arg0, %c0_i32 : i32, i32
  }
  func.func @transform_2(%arg0: i32) -> (i32, i32) {
    %c0_i32 = arith.constant 0 : i32
    %c0_i32_0 = arith.constant 0 : i32
    %c0_i32_1 = arith.constant 0 : i32
    return %c0_i32, %c0_i32_0 : i32, i32
  }
  func.func @transform_3(%arg0: i32) -> (i32, i32) {
    %c0_i32 = arith.constant 0 : i32
    %c0_i32_0 = arith.constant 0 : i32
    %c0_i32_1 = arith.constant 0 : i32
    return %c0_i32, %c0_i32_0 : i32, i32
  }
  func.func @transform_4(%arg0: i32) -> (i32, i32) {
    %c0_i32 = arith.constant 0 : i32
    %c0_i32_0 = arith.constant 0 : i32
    %c0_i32_1 = arith.constant 0 : i32
    return %c0_i32, %c0_i32_0 : i32, i32
  }
  func.func @transform_5(%arg0: i32) -> (i32, i32) {
    %c0_i32 = arith.constant 0 : i32
    %c0_i32_0 = arith.constant 0 : i32
    %c0_i32_1 = arith.constant 0 : i32
    return %c0_i32, %c0_i32_0 : i32, i32
  }
  func.func @transform_6(%arg0: i32) -> (i32, i32) {
    %c0_i32 = arith.constant 0 : i32
    %c0_i32_0 = arith.constant 0 : i32
    %c0_i32_1 = arith.constant 0 : i32
    return %c0_i32, %c0_i32_0 : i32, i32
  }
  func.func @transform_7(%arg0: i32) -> (i32, i32) {
    %c0_i32 = arith.constant 0 : i32
    %c0_i32_0 = arith.constant 0 : i32
    %c0_i32_1 = arith.constant 0 : i32
    return %c0_i32, %c0_i32_0 : i32, i32
  }
  func.func @transform_8(%arg0: i32) -> (i32, i32) {
    %c0_i32 = arith.constant 0 : i32
    %c0_i32_0 = arith.constant 0 : i32
    %c0_i32_1 = arith.constant 0 : i32
    return %c0_i32, %c0_i32_0 : i32, i32
  }
  func.func @transform_9(%arg0: i32) -> (i32, i32) {
    %c0_i32 = arith.constant 0 : i32
    %c0_i32_0 = arith.constant 0 : i32
    %c0_i32_1 = arith.constant 0 : i32
    return %c0_i32, %c0_i32_0 : i32, i32
  }
  func.func @transform_10(%arg0: i32) -> (i32, i32) {
    %c0_i32 = arith.constant 0 : i32
    %c0_i32_0 = arith.constant 0 : i32
    %c0_i32_1 = arith.constant 0 : i32
    return %c0_i32, %c0_i32_0 : i32, i32
  }
  func.func @transform_11(%arg0: i32) -> (i32, i32) {
    %c0_i32 = arith.constant 0 : i32
    %c0_i32_0 = arith.constant 0 : i32
    %c0_i32_1 = arith.constant 0 : i32
    return %c0_i32, %c0_i32_0 : i32, i32
  }
  func.func @transform_12(%arg0: i32) -> (i32, i32) {
    %c0_i32 = arith.constant 0 : i32
    %c0_i32_0 = arith.constant 0 : i32
    %c0_i32_1 = arith.constant 0 : i32
    return %c0_i32, %c0_i32_0 : i32, i32
  }
  func.func @transform_13(%arg0: i32) -> (i32, i32) {
    %c0_i32 = arith.constant 0 : i32
    %c0_i32_0 = arith.constant 0 : i32
    return %c0_i32, %arg0 : i32, i32
  }
}

module attributes {stable_mosaic.version = 14 : i64} {
  func.func @body(%arg0: i32, %arg1: memref<2x16384xf32, #tpu.memory_space<vmem>>, %arg2: memref<16384x128xf32, #tpu.memory_space<vmem>>, %arg3: memref<2x256xbf16, #tpu.memory_space<vmem>>, %arg4: memref<128x256xbf16, #tpu.memory_space<vmem>>, %arg5: memref<1x256xbf16, #tpu.memory_space<vmem>>, %arg6: memref<256x256xbf16, #tpu.memory_space<vmem>>, %arg7: memref<1x256xbf16, #tpu.memory_space<vmem>>, %arg8: memref<256x256xbf16, #tpu.memory_space<vmem>>, %arg9: memref<1x256xbf16, #tpu.memory_space<vmem>>, %arg10: memref<256x256xbf16, #tpu.memory_space<vmem>>, %arg11: memref<1x256xbf16, #tpu.memory_space<vmem>>, %arg12: memref<256x3xbf16, #tpu.memory_space<vmem>>, %arg13: memref<3x1xf32, #tpu.memory_space<vmem>>, %arg14: memref<3x16384xf32, #tpu.memory_space<vmem>>) attributes {dimension_semantics = [#tpu.dimension_semantics<arbitrary>], iteration_bounds = array<i64: 12>, scalar_prefetch = 0 : i64, scratch_operands = 0 : i64, tpu.core_type = #tpu.core_type<tc>, window_params = [{transform_indices = @transform_0, window_bounds = array<i64: 2, 16384>}, {transform_indices = @transform_1, window_bounds = array<i64: 16384, 128>}, {pipeline_mode = #tpu.pipeline_mode<synchronous>, transform_indices = @transform_2, window_bounds = array<i64: 2, 256>}, {pipeline_mode = #tpu.pipeline_mode<synchronous>, transform_indices = @transform_3, window_bounds = array<i64: 128, 256>}, {pipeline_mode = #tpu.pipeline_mode<synchronous>, transform_indices = @transform_4, window_bounds = array<i64: 1, 256>}, {pipeline_mode = #tpu.pipeline_mode<synchronous>, transform_indices = @transform_5, window_bounds = array<i64: 256, 256>}, {pipeline_mode = #tpu.pipeline_mode<synchronous>, transform_indices = @transform_6, window_bounds = array<i64: 1, 256>}, {pipeline_mode = #tpu.pipeline_mode<synchronous>, transform_indices = @transform_7, window_bounds = array<i64: 256, 256>}, {pipeline_mode = #tpu.pipeline_mode<synchronous>, transform_indices = @transform_8, window_bounds = array<i64: 1, 256>}, {pipeline_mode = #tpu.pipeline_mode<synchronous>, transform_indices = @transform_9, window_bounds = array<i64: 256, 256>}, {pipeline_mode = #tpu.pipeline_mode<synchronous>, transform_indices = @transform_10, window_bounds = array<i64: 1, 256>}, {pipeline_mode = #tpu.pipeline_mode<synchronous>, transform_indices = @transform_11, window_bounds = array<i64: 256, 3>}, {pipeline_mode = #tpu.pipeline_mode<synchronous>, transform_indices = @transform_12, window_bounds = array<i64: 3, 1>}, {transform_indices = @transform_13, window_bounds = array<i64: 3, 16384>}]} {
    %get3A = arith.constant 0 : index
    %get3A_0 = arith.constant 0 : index
    %get3A_1 = vector.load %arg1[%get3A, %get3A_0] : memref<2x16384xf32, #tpu.memory_space<vmem>>, vector<2x16384xf32>
    %convert_element_type3A = arith.truncf %get3A_1 : vector<2x16384xf32> to vector<2x16384xbf16>
    %get3A_2 = arith.constant 0 : index
    %get3A_3 = arith.constant 0 : index
    %get3A_4 = vector.load %arg3[%get3A_2, %get3A_3] : memref<2x256xbf16, #tpu.memory_space<vmem>>, vector<2x256xbf16>
    %dot_general3A = arith.constant dense<0.000000e+00> : vector<16384x256xf32>
    %dot_general3A_5 = tpu.matmul %convert_element_type3A, %get3A_4, %dot_general3A {dimension_numbers = #tpu.dot_dimension_numbers<[0], [0], [1], [1], [0, 1, 1, 1], [], []>, transpose_lhs_hint = false} : vector<2x16384xbf16>, vector<2x256xbf16>, vector<16384x256xf32> -> vector<16384x256xf32>
    %get3A_6 = arith.constant 0 : index
    %get3A_7 = arith.constant 0 : index
    %get3A_8 = vector.load %arg2[%get3A_6, %get3A_7] : memref<16384x128xf32, #tpu.memory_space<vmem>>, vector<16384x128xf32>
    %convert_element_type3A_9 = arith.truncf %get3A_8 : vector<16384x128xf32> to vector<16384x128xbf16>
    %get3A_10 = arith.constant 0 : index
    %get3A_11 = arith.constant 0 : index
    %get3A_12 = vector.load %arg4[%get3A_10, %get3A_11] : memref<128x256xbf16, #tpu.memory_space<vmem>>, vector<128x256xbf16>
    %dot_general3A_13 = arith.constant dense<0.000000e+00> : vector<16384x256xf32>
    %dot_general3A_14 = tpu.matmul %convert_element_type3A_9, %get3A_12, %dot_general3A_13 {dimension_numbers = #tpu.dot_dimension_numbers<[1], [0], [0], [1], [0, 0, 1, 1], [], []>, transpose_lhs_hint = false} : vector<16384x128xbf16>, vector<128x256xbf16>, vector<16384x256xf32> -> vector<16384x256xf32>
    %add3A = arith.addf %dot_general3A_5, %dot_general3A_14 : vector<16384x256xf32>
    %convert_element_type3A_15 = arith.truncf %add3A : vector<16384x256xf32> to vector<16384x256xbf16>
    %get3A_16 = arith.constant 0 : index
    %get3A_17 = arith.constant 0 : index
    %get3A_18 = vector.load %arg5[%get3A_16, %get3A_17] : memref<1x256xbf16, #tpu.memory_space<vmem>>, vector<1x256xbf16>
    %add3A_19 = vector.broadcast %get3A_18 : vector<1x256xbf16> to vector<16384x256xbf16>
    %add3A_20 = arith.addf %convert_element_type3A_15, %add3A_19 : vector<16384x256xbf16>
    %max3A = arith.constant 0.000000e+00 : bf16
    %max3A_21 = vector.broadcast %max3A : bf16 to vector<16384x256xbf16>
    %max3A_22 = arith.maximumf %add3A_20, %max3A_21 : vector<16384x256xbf16>
    %get3A_23 = arith.constant 0 : index
    %get3A_24 = arith.constant 0 : index
    %get3A_25 = vector.load %arg6[%get3A_23, %get3A_24] : memref<256x256xbf16, #tpu.memory_space<vmem>>, vector<256x256xbf16>
    %dot_general3A_26 = arith.constant dense<0.000000e+00> : vector<16384x256xf32>
    %dot_general3A_27 = tpu.matmul %max3A_22, %get3A_25, %dot_general3A_26 {dimension_numbers = #tpu.dot_dimension_numbers<[1], [0], [0], [1], [0, 0, 1, 1], [], []>, transpose_lhs_hint = false} : vector<16384x256xbf16>, vector<256x256xbf16>, vector<16384x256xf32> -> vector<16384x256xf32>
    %convert_element_type3A_28 = arith.truncf %dot_general3A_27 : vector<16384x256xf32> to vector<16384x256xbf16>
    %get3A_29 = arith.constant 0 : index
    %get3A_30 = arith.constant 0 : index
    %get3A_31 = vector.load %arg7[%get3A_29, %get3A_30] : memref<1x256xbf16, #tpu.memory_space<vmem>>, vector<1x256xbf16>
    %add3A_32 = vector.broadcast %get3A_31 : vector<1x256xbf16> to vector<16384x256xbf16>
    %add3A_33 = arith.addf %convert_element_type3A_28, %add3A_32 : vector<16384x256xbf16>
    %max3A_34 = arith.constant 0.000000e+00 : bf16
    %max3A_35 = vector.broadcast %max3A_34 : bf16 to vector<16384x256xbf16>
    %max3A_36 = arith.maximumf %add3A_33, %max3A_35 : vector<16384x256xbf16>
    %get3A_37 = arith.constant 0 : index
    %get3A_38 = arith.constant 0 : index
    %get3A_39 = vector.load %arg8[%get3A_37, %get3A_38] : memref<256x256xbf16, #tpu.memory_space<vmem>>, vector<256x256xbf16>
    %dot_general3A_40 = arith.constant dense<0.000000e+00> : vector<16384x256xf32>
    %dot_general3A_41 = tpu.matmul %max3A_36, %get3A_39, %dot_general3A_40 {dimension_numbers = #tpu.dot_dimension_numbers<[1], [0], [0], [1], [0, 0, 1, 1], [], []>, transpose_lhs_hint = false} : vector<16384x256xbf16>, vector<256x256xbf16>, vector<16384x256xf32> -> vector<16384x256xf32>
    %convert_element_type3A_42 = arith.truncf %dot_general3A_41 : vector<16384x256xf32> to vector<16384x256xbf16>
    %get3A_43 = arith.constant 0 : index
    %get3A_44 = arith.constant 0 : index
    %get3A_45 = vector.load %arg9[%get3A_43, %get3A_44] : memref<1x256xbf16, #tpu.memory_space<vmem>>, vector<1x256xbf16>
    %add3A_46 = vector.broadcast %get3A_45 : vector<1x256xbf16> to vector<16384x256xbf16>
    %add3A_47 = arith.addf %convert_element_type3A_42, %add3A_46 : vector<16384x256xbf16>
    %max3A_48 = arith.constant 0.000000e+00 : bf16
    %max3A_49 = vector.broadcast %max3A_48 : bf16 to vector<16384x256xbf16>
    %max3A_50 = arith.maximumf %add3A_47, %max3A_49 : vector<16384x256xbf16>
    %get3A_51 = arith.constant 0 : index
    %get3A_52 = arith.constant 0 : index
    %get3A_53 = vector.load %arg10[%get3A_51, %get3A_52] : memref<256x256xbf16, #tpu.memory_space<vmem>>, vector<256x256xbf16>
    %dot_general3A_54 = arith.constant dense<0.000000e+00> : vector<16384x256xf32>
    %dot_general3A_55 = tpu.matmul %max3A_50, %get3A_53, %dot_general3A_54 {dimension_numbers = #tpu.dot_dimension_numbers<[1], [0], [0], [1], [0, 0, 1, 1], [], []>, transpose_lhs_hint = false} : vector<16384x256xbf16>, vector<256x256xbf16>, vector<16384x256xf32> -> vector<16384x256xf32>
    %convert_element_type3A_56 = arith.truncf %dot_general3A_55 : vector<16384x256xf32> to vector<16384x256xbf16>
    %get3A_57 = arith.constant 0 : index
    %get3A_58 = arith.constant 0 : index
    %get3A_59 = vector.load %arg11[%get3A_57, %get3A_58] : memref<1x256xbf16, #tpu.memory_space<vmem>>, vector<1x256xbf16>
    %add3A_60 = vector.broadcast %get3A_59 : vector<1x256xbf16> to vector<16384x256xbf16>
    %add3A_61 = arith.addf %convert_element_type3A_56, %add3A_60 : vector<16384x256xbf16>
    %max3A_62 = arith.constant 0.000000e+00 : bf16
    %max3A_63 = vector.broadcast %max3A_62 : bf16 to vector<16384x256xbf16>
    %max3A_64 = arith.maximumf %add3A_61, %max3A_63 : vector<16384x256xbf16>
    %get3A_65 = arith.constant 0 : index
    %get3A_66 = arith.constant 0 : index
    %get3A_67 = vector.load %arg12[%get3A_65, %get3A_66] : memref<256x3xbf16, #tpu.memory_space<vmem>>, vector<256x3xbf16>
    %dot_general3A_68 = arith.constant dense<0.000000e+00> : vector<3x16384xf32>
    %dot_general3A_69 = tpu.matmul %get3A_67, %max3A_64, %dot_general3A_68 {dimension_numbers = #tpu.dot_dimension_numbers<[0], [1], [1], [0], [0, 1, 1, 0], [], []>, transpose_lhs_hint = false} : vector<256x3xbf16>, vector<16384x256xbf16>, vector<3x16384xf32> -> vector<3x16384xf32>
    %get3A_70 = arith.constant 0 : index
    %get3A_71 = arith.constant 0 : index
    %get3A_72 = vector.load %arg13[%get3A_70, %get3A_71] : memref<3x1xf32, #tpu.memory_space<vmem>>, vector<3x1xf32>
    %add3A_73 = vector.broadcast %get3A_72 : vector<3x1xf32> to vector<3x16384xf32>
    %add3A_74 = arith.addf %dot_general3A_69, %add3A_73 : vector<3x16384xf32>
    %logistic3A = arith.negf %add3A_74 : vector<3x16384xf32>
    %logistic3A_75 = math.exp %logistic3A : vector<3x16384xf32>
    %logistic3A_76 = arith.constant 1.000000e+00 : f32
    %logistic3A_77 = vector.broadcast %logistic3A_76 : f32 to vector<3x16384xf32>
    %logistic3A_78 = arith.addf %logistic3A_77, %logistic3A_75 : vector<3x16384xf32>
    %logistic3A_79 = arith.divf %logistic3A_77, %logistic3A_78 : vector<3x16384xf32>
    %swap3A = arith.constant 0 : index
    %swap3A_80 = arith.constant 0 : index
    %swap3A_81 = vector.load %arg14[%swap3A, %swap3A_80] : memref<3x16384xf32, #tpu.memory_space<vmem>>, vector<3x16384xf32>
    tpu.vector_store %arg14[%swap3A, %swap3A_80], %logistic3A_79 {strides = array<i32>} : memref<3x16384xf32, #tpu.memory_space<vmem>>, vector<3x16384xf32>,
    return
  }
  func.func @transform_0(%arg0: i32) -> (i32, i32) {
    %c0_i32 = arith.constant 0 : i32
    %c0_i32_0 = arith.constant 0 : i32
    return %c0_i32, %arg0 : i32, i32
  }
  func.func @transform_1(%arg0: i32) -> (i32, i32) {
    %c0_i32 = arith.constant 0 : i32
    %c0_i32_0 = arith.constant 0 : i32
    return %arg0, %c0_i32 : i32, i32
  }
  func.func @transform_2(%arg0: i32) -> (i32, i32) {
    %c0_i32 = arith.constant 0 : i32
    %c0_i32_0 = arith.constant 0 : i32
    %c0_i32_1 = arith.constant 0 : i32
    return %c0_i32, %c0_i32_0 : i32, i32
  }
  func.func @transform_3(%arg0: i32) -> (i32, i32) {
    %c0_i32 = arith.constant 0 : i32
    %c0_i32_0 = arith.constant 0 : i32
    %c0_i32_1 = arith.constant 0 : i32
    return %c0_i32, %c0_i32_0 : i32, i32
  }
  func.func @transform_4(%arg0: i32) -> (i32, i32) {
    %c0_i32 = arith.constant 0 : i32
    %c0_i32_0 = arith.constant 0 : i32
    %c0_i32_1 = arith.constant 0 : i32
    return %c0_i32, %c0_i32_0 : i32, i32
  }
  func.func @transform_5(%arg0: i32) -> (i32, i32) {
    %c0_i32 = arith.constant 0 : i32
    %c0_i32_0 = arith.constant 0 : i32
    %c0_i32_1 = arith.constant 0 : i32
    return %c0_i32, %c0_i32_0 : i32, i32
  }
  func.func @transform_6(%arg0: i32) -> (i32, i32) {
    %c0_i32 = arith.constant 0 : i32
    %c0_i32_0 = arith.constant 0 : i32
    %c0_i32_1 = arith.constant 0 : i32
    return %c0_i32, %c0_i32_0 : i32, i32
  }
  func.func @transform_7(%arg0: i32) -> (i32, i32) {
    %c0_i32 = arith.constant 0 : i32
    %c0_i32_0 = arith.constant 0 : i32
    %c0_i32_1 = arith.constant 0 : i32
    return %c0_i32, %c0_i32_0 : i32, i32
  }
  func.func @transform_8(%arg0: i32) -> (i32, i32) {
    %c0_i32 = arith.constant 0 : i32
    %c0_i32_0 = arith.constant 0 : i32
    %c0_i32_1 = arith.constant 0 : i32
    return %c0_i32, %c0_i32_0 : i32, i32
  }
  func.func @transform_9(%arg0: i32) -> (i32, i32) {
    %c0_i32 = arith.constant 0 : i32
    %c0_i32_0 = arith.constant 0 : i32
    %c0_i32_1 = arith.constant 0 : i32
    return %c0_i32, %c0_i32_0 : i32, i32
  }
  func.func @transform_10(%arg0: i32) -> (i32, i32) {
    %c0_i32 = arith.constant 0 : i32
    %c0_i32_0 = arith.constant 0 : i32
    %c0_i32_1 = arith.constant 0 : i32
    return %c0_i32, %c0_i32_0 : i32, i32
  }
  func.func @transform_11(%arg0: i32) -> (i32, i32) {
    %c0_i32 = arith.constant 0 : i32
    %c0_i32_0 = arith.constant 0 : i32
    %c0_i32_1 = arith.constant 0 : i32
    return %c0_i32, %c0_i32_0 : i32, i32
  }
  func.func @transform_12(%arg0: i32) -> (i32, i32) {
    %c0_i32 = arith.constant 0 : i32
    %c0_i32_0 = arith.constant 0 : i32
    %c0_i32_1 = arith.constant 0 : i32
    return %c0_i32, %c0_i32_0 : i32, i32
  }
  func.func @transform_13(%arg0: i32) -> (i32, i32) {
    %c0_i32 = arith.constant 0 : i32
    %c0_i32_0 = arith.constant 0 : i32
    return %c0_i32, %arg0 : i32, i32
  }
}

</mosaic_0001>

<sc_bundles>
// kernel: kernel.10.cloned.1.call-start
scs
__scs_entry_jumppad:
0x0: {  	(pc) =	sbr.rel $0x88, $3  }
0x1: {  	(tag) =	ssettag $0x0;
	lr =	simm.s32 $0x1  }
0x2: {  	[smem:$0x3F94] =	sst lr;
	_ =	strace $0xD0000000  }
0x3: {  	_ = 	snop  }
0x4: {  	_ = 	snop  }
0x5: {  	_ = 	snop  }
0x6: {  	_ = 	snop  }
0x7: {  	_ = 	snop  }
__scs_overlays_trampoline_lowered:
0x8: {  	[smem:$0x3FA3] =	sst s0  }
0x9: {  	[smem:$0x3FA4] =	sst s1  }
0xa: {  	[smem:$0x3FA5] =	sst s2  }
0xb: {  	[smem:$0x3FA6] =	sst s3  }
0xc: {  	[smem:$0x3FA7] =	sst s4  }
0xd: {  	[smem:$0x3FA8] =	sst s5  }
0xe: {  	[smem:$0x3FA9] =	sst s6  }
0xf: {  	[smem:$0x3FAA] =	sst s7  }
0x10: {  	[smem:$0x3FAB] =	sst s8  }
0x11: {  	[smem:$0x3FAC] =	sst s9;
	s0 =	simm.s32 @!p0 $0x0  }
0x12: {  	s1 =	sld [smem:$0x3F92];
	s0 =	simm.s32 @p0 $0x1  }
0x13: {  	[smem:$0x3FAD] =	sst s0;
	s0 =	simm.s32 @!p1 $0x0  }
0x14: {  	s2 =	sld [smem:$0x3F91];
	s0 =	simm.s32 @p1 $0x1  }
0x15: {  	[smem:$0x3FAE] =	sst s0;
	s0 =	simm.s32 @!p2 $0x0  }
0x16: {  	s3 =	sld [smem:$0x3FDB];
	s0 =	simm.s32 @p2 $0x1  }
0x17: {  	s4 =	simm.s32 $0x1BF5;
	[smem:$0x3FB0] =	sst s0  }
0x18: {  	s0 =	sld [smem:$0x3F93];
	_ =	swait.ge [sflag:s4], $0x0  }
0x19: {  	s7 =	sld [smem:$0x3F94]  }
0x1a: {  	s8 =	sadd.s32 $0xFFFFE003, lr  }
0x1b: {  	s9 =	sadd.s32 $0xFFFFFEF7, lr;
	s5 =	simm.s32 $0xFFFFFFFF;
	p2 =	slt.u32 s8, $0xFFFFF086  }
0x1c: {  	p1 =	slt.u32 s9, $0xF7A;
	s5 =	simm.s32 @!p2 $0x0  }
0x1d: {  	s5 =	simm.s32 @p1 $0x1;
	p0 =	seq.s32 s7, s2  }
0x1e: {  	s7 =	smul.u32 @!p0 $0xF7A, s2;
	p2 =	seq.s32 @!p0 s5, $0x0  }
0x1f: {  	s9 =	smul.u32 $0xF7A, s1;
	s8 =	simm.s32 @!p0 $0x1BF5;
	p2 =	por !p2, p0  }
0x20: {  	[sflag:s8] =	ssyncset.s32 @!p0 $0xFFFFF086;
	s6 =	sadd.s32 @!p0 s3, s7;
	s7 =	simm.s32 @!p0 $0x108  }
0x21: {  	s3 =	sadd.s32 s3, s9;
	s6 =	sadd.s32 @!p0 $0x88, s6;
	s7 =	simm.s32 @p2 $0x1082  }
0x22: {  	[simem:s7], [sflag:s8] =	dma.local @!p0 [hbm:s6], $0xF7A  }
0x23: {  	s9 =	sor.u32 $0xD0000000, s2;
	s6 =	simm.s32 $0x108;
	_ =	swait.ge @!p0 [sflag:s8], $0x0  }
0x24: {  	s3 =	sadd.s32 $0x88, s3;
	s6 =	simm.s32 @!p1 $0x1082;
	[sflag:s4] =	ssyncset.s32 $0xFFFFF086  }
0x25: {  	[simem:s6], [sflag:s4] =	dma.local [hbm:s3], $0xF7A  }
0x26: {  	[smem:$0x3F94] =	sst s1;
	(tag) =	ssettag s2;
	_ =	strace s9  }
0x27: {  	s1 =	sld [smem:$0x3FA4]  }
0x28: {  	s2 =	sld [smem:$0x3FA5]  }
0x29: {  	s4 =	sld [smem:$0x3FA7]  }
0x2a: {  	p0 =	seq.s32 s5, $0x0;
	s5 =	sld [smem:$0x3FA8]  }
0x2b: {  	s6 =	sld [smem:$0x3FA9]  }
0x2c: {  	s7 =	sld [smem:$0x3FAA]  }
0x2d: {  	s3 =	simm.s32 $0x108;
	s8 =	sld [smem:$0x3FAB]  }
0x2e: {  	s3 =	simm.s32 @!p0 $0x1082;
	s9 =	sld [smem:$0x3FAC]  }
0x2f: {  	lr =	sadd.s32 s0, s3;
	s0 =	sld [smem:$0x3FA3]  }
0x30: {  	s3 =	sld [smem:$0x3FA6]  }
0x31: {  	[smem:$0x3FAF] =	sst s10  }
0x32: {  	s10 =	sld [smem:$0x3FAD];
	_ =	sdelay $0x3  }
0x33: {  	p0 =	seq.s32 s10, $0x1;
	s10 =	sld [smem:$0x3FAF];
	_ =	sdelay $0x3  }
0x34: {  	[smem:$0x3FAF] =	sst s10  }
0x35: {  	s10 =	sld [smem:$0x3FAE];
	_ =	sdelay $0x3  }
0x36: {  	p1 =	seq.s32 s10, $0x1;
	s10 =	sld [smem:$0x3FAF];
	_ =	sdelay $0x3  }
0x37: {  	[smem:$0x3FAF] =	sst s10  }
0x38: {  	s10 =	sld [smem:$0x3FB0]  }
0x39: {  	_ = 	snop;
	(pc) =	sbr.ind lr, $3  }
0x3a: {  	_ = 	snop  }
0x3b: {  	_ = 	snop  }
0x3c: {  	p2 =	seq.s32 s10, $0x1;
	s10 =	sld [smem:$0x3FAF]  }
0x3d: {  	_ =	shalt  }
0x3e: {  	_ =	shalt  }
0x3f: {  	_ =	shalt  }
0x40: {  	_ =	shalt  }
0x41: {  	_ =	shalt  }
0x42: {  	_ =	shalt  }
0x43: {  	_ =	shalt  }
0x44: {  	_ =	shalt  }
0x45: {  	_ =	shalt  }
0x46: {  	_ =	shalt  }
0x47: {  	_ =	shalt  }
0x48: {  	_ =	shalt  }
0x49: {  	_ =	shalt  }
0x4a: {  	_ =	shalt  }
0x4b: {  	_ =	shalt  }
0x4c: {  	_ =	shalt  }
0x4d: {  	_ =	shalt  }
0x4e: {  	_ =	shalt  }
0x4f: {  	_ =	shalt  }
0x50: {  	_ =	shalt  }
0x51: {  	_ =	shalt  }
0x52: {  	_ =	shalt  }
0x53: {  	_ =	shalt  }
0x54: {  	_ =	shalt  }
0x55: {  	_ =	shalt  }
0x56: {  	_ =	shalt  }
0x57: {  	_ =	shalt  }
0x58: {  	_ =	shalt  }
0x59: {  	_ =	shalt  }
0x5a: {  	_ =	shalt  }
0x5b: {  	_ =	shalt  }
0x5c: {  	_ =	shalt  }
0x5d: {  	_ =	shalt  }
0x5e: {  	_ =	shalt  }
0x5f: {  	_ =	shalt  }
0x60: {  	_ =	shalt  }
0x61: {  	_ =	shalt  }
0x62: {  	_ =	shalt  }
0x63: {  	_ =	shalt  }
0x64: {  	_ =	shalt  }
0x65: {  	_ =	shalt  }
0x66: {  	_ =	shalt  }
0x67: {  	_ =	shalt  }
0x68: {  	_ =	shalt  }
0x69: {  	_ =	shalt  }
0x6a: {  	_ =	shalt  }
0x6b: {  	_ =	shalt  }
0x6c: {  	_ =	shalt  }
0x6d: {  	_ =	shalt  }
0x6e: {  	_ =	shalt  }
0x6f: {  	_ =	shalt  }
0x70: {  	_ =	shalt  }
0x71: {  	_ =	shalt  }
0x72: {  	_ =	shalt  }
0x73: {  	_ =	shalt  }
0x74: {  	_ =	shalt  }
0x75: {  	_ =	shalt  }
0x76: {  	_ =	shalt  }
0x77: {  	_ =	shalt  }
0x78: {  	_ =	shalt  }
0x79: {  	_ =	shalt  }
0x7a: {  	_ =	shalt  }
0x7b: {  	_ =	shalt  }
0x7c: {  	_ =	shalt  }
0x7d: {  	_ =	shalt  }
0x7e: {  	_ =	shalt  }
0x7f: {  	_ =	shalt  }
0x80: {  	_ =	shalt  }
0x81: {  	_ =	shalt  }
0x82: {  	_ =	shalt  }
0x83: {  	_ =	shalt  }
0x84: {  	_ =	shalt  }
0x85: {  	_ =	shalt  }
0x86: {  	_ =	shalt  }
0x87: {  	_ =	shalt  }
.Lfunc_end0:
.L_simem_size_0:
called_computation_lowered:
.L_overlay_start_0:
0x88: {  	s2 =	sld [smem:$0x3FD9]  }
0x89: {  	s3 =	sld [smem:$0x3FFE];
	_ =	sdelay $0x1  }
0x8a: {  	s1 =	srdreg.scid  }
0x8b: {  	s0 =	sand.u32 $0x1, s1  }
0x8c: {  	s16 =	sshll.u32 s0, $0xA;
	s2 =	sadd.s32 s3, s2  }
0x8d: {  	s2 =	sadd.s32 s2, s16  }
0x8e: {  	[smem:$0x3FBB] =	sst s2  }
0x8f: {  	_ = 	snop  }
0x90: {  	(tm) =	ssettm $0x1  }
0x91: {  	s17 =	sld [smem:$0x3FFB];
	_ =	sdelay $0x3  }
0x92: {  	_ =	strace s17  }
0x93: {  	s2 =	sld [smem:$0x3FFC];
	_ =	sdelay $0x3  }
0x94: {  	_ =	strace s2  }
0x95: {  	s2 =	sld [smem:$0x3FFD];
	_ =	sdelay $0x3  }
0x96: {  	_ =	strace s2  }
0x97: {  	_ =	strace $0x8FFFFFFF  }
0x98: {  	s18 =	sld [smem:$0x3FDB];
	_ =	sdelay $0x1  }
0x99: {  	s19 =	simm.s32 $_scs_section_size  }
0x9a: {  	s4 =	simm.s32 $_size__tile_overlayer_lowered;
	s5 =	simm.s32 $_tile_overlayer_lowered  }
0x9b: {  	s22 =	simm.s32 $0x1BFF;
	s21 =	sshll.u32 s5, $0x1;
	s2 =	sadd.s32 s19, s18  }
0x9c: {  	s6 =	simm.s32 $0x0;
	s20 =	sshll.u32 s4, $0x1;
	s4 =	sadd.s32 s21, s2  }
0x9d: {  	[timem:s6], [sflag:s22] =	dma.local [hbm:s4], s20  }
0x9e: {  	_ =	swait.ge [sflag:s22], s20  }
0x9f: {  	s3 =	ssub.s32 $0x0, s20;
	[sflag:s22] =	ssyncset.done $0x0  }
0xa0: {  	[sflag:s22] =	ssyncadd.s32 s3;
	_ =	sdelay $0x1  }
0xa1: {  	s23 =	simm.s32 $0x1B8B  }
0xa2: {  	_ =	swait.ge [sflag:s23], $0x1  }
0xa3: {  	[sflag:s23] =	ssyncset.done $0x0  }
0xa4: {  	s25 =	simm.s32 $0x1B8E;
	s24 =	sld [smem:$0x3FFE];
	[sflag:s23] =	ssyncadd.s32 $0xFFFFFFFF  }
0xa5: {  	s26 =	simm.s32 $execute0_lowered;
	[smem:$0x3FD2] =	sst s25  }
0xa6: {  	s4 =	sshll.u32 s26, $0x1;
	_ =	strace $0x80000046;
	[dreg:$0x1] =	wrdreg $0xFFFFFFFF  }
0xa7: {  	s28 =	simm.s32 $_size_execute0_lowered;
	s2 =	sadd.s32 s2, s4;
	[dreg:$0x0] =	wrdreg $0x0  }
0xa8: {  	s4 =	sshll.u32 s28, $0x1;
	[dreg:$0x2] =	wrdreg s2  }
0xa9: {  	[dreg:$0x3] =	wrdreg s4  }
0xaa: {  	[dreg:$0x4] =	wrdreg $0xC0  }
0xab: {  	_ =	task [dreg:s6], $0x5FFFF  }
0xac: {  	[dreg:$0x1] =	wrdreg $0xFFFFFFFF  }
0xad: {  	[dreg:$0x0] =	wrdreg $0x60  }
0xae: {  	[dreg:$0x2] =	wrdreg s24  }
0xaf: {  	[dreg:$0x3] =	wrdreg $0x9  }
0xb0: {  	_ =	task.clear_ibuf [dreg:s6], $0x4FFFF;
	_ =	strace $0x90000046  }
0xb1: {  	s29 =	simm.s32 $0x9;
	_ =	strace $0x80000048  }
0xb2: {  	_ =	swait.ge [sflag:s29], $0x1  }
0xb3: {  	[sflag:s29] =	ssyncadd.s32 $0xFFFFFFFF  }
0xb4: {  	_ =	strace $0x90000048  }
0xb5: {  	_ =	sfence  }
0xb6: {  	s30 =	sld [smem:$0x0];
	_ =	sdelay $0x2  }
0xb7: {  	s31 =	sshll.u32 s1, $0xD;
	s1 =	sshrl.u32 s1, $0x2  }
0xb8: {  	s3 =	sand.u32 $0x4000, s31;
	s1 =	sadd.s32 s1, s30  }
0xb9: {  	s0 =	sor.u32 s3, s0;
	s1 =	sshll.u32 s1, $0x11  }
0xba: {  	s0 =	sor.u32 s1, s0  }
0xbb: {  	s0 =	sadd.s32 $0x8F2B, s0  }
0xbc: {  	[sflag:s0] =	ssyncadd.remote.s32 $0x1  }
0xbd: {  	_ =	sfence.sel $0xFFFF  }
0xbe: {  	[dreg:$0x0] =	wrdreg $0xFFFFFFFF;
	(pc) =	sbr.abs _section_cstart, $3  }
0xbf: {  	[dreg:$0x1] =	wrdreg $0xFFFFFFFF  }
0xc0: {  	_ =	task.clear_ibuf [dreg:s6], $0x2FFFF;
	_ =	strace $0x9FFFFFFF  }
0xc1: {  	(tm) =	ssettm $0x7FFFFFFF  }
tec
execute0_lowered:
.L_overlay_start_1:
0x0: {  	(tag) =	ssettag $0x1  }
0x1: {  	s1 =	srdreg.scid  }
0x2: {  	s0 =	stileid.u32;
	s24 =	sand.u32 $0x1, s1  }
0x3: {  	s31 =	sshll.u32 s0, $0xB;
	s2 =	sshll.u32 s24, $0xA  }
0x4: {  	s10 =	rddreg [dreg:$0x0];
	s11 =	sor.u32 s2, s31  }
0x5: {  	s1 =	rddreg [dreg:$0x1];
	s2 =	simm.s32 $0x0;
	s3 =	sshrl.u32 s11, $0x3  }
0x6: {  	[smem:$0x7FF] =	sst s2;
	s3 =	sadd.s32 s3, s10  }
0x7: {  	_ =	strace $0x80000047;
	s4 =	sadd.s32 $0x3000, s3;
	s3 =	simm.s32 $0x3  }
0x8: {  	[tilespmem:s2], [sflag:$0x3] =	stream.linear.gather [hbm4b:s4+s2], $0x400, $0x38;
	[tilespmem:$0x8400] =	vst v63  }
0x9: {  	_ =	swait.ge [sflag:s3], $0x400  }
0xa: {  	s6 =	simm.s32 $0x80;
	[sflag:s3] =	ssyncset.done $0x0  }
0xb: {  	s7 =	simm.s32 $0x400;
	s5 =	sadd.s32 $0x4000, s10;
	[sflag:s3] =	ssyncadd.s32 $0xFFFFFC00  }
0xc: {  	[tilespmem:s7], [sflag:$0x1] =	stream.indirect.gather [hbm4b:s5+s6], $0x80, s2, s6, $0xb8;
	[tilespmem:$0x8400] =	vst v63  }
0xd: {  	s8 =	simm.s32 $0x4400;
	s9 =	simm.s32 $0x1  }
0xe: {  	[tilespmem:s8], [sflag:$0x2] =	stream.indirect.gather [hbm4b:s5+s6], $0x80, s6, s6, $0xb8;
	[tilespmem:$0x8400] =	vst v63  }
0xf: {  	s11 =	sshll.u32 s11, $0x4;
	_ =	swait.ge [sflag:s9], $0x4000  }
0x10: {  	s25 =	sadd.s32 s11, s10;
	[sflag:s9] =	ssyncset.done $0x0  }
0x11: {  	s10 =	sadd.s32 $0x8000, s25;
	[sflag:s9] =	ssyncadd.s32 $0xFFFFC000  }
0x12: {  	[hbm4b:s10+s2] =	stream.linear.scatter [tilespmem:s7], [sflag:$0x3], $0x4000, $0x38;
	[tilespmem:$0x8400] =	vst v63  }
0x13: {  	_ =	swait.ge [sflag:s3], $0x4000  }
0x14: {  	[sflag:s3] =	ssyncset.done $0x0  }
0x15: {  	s12 =	simm.s32 $0x2;
	s11 =	simm.s32 $0x100;
	[sflag:s3] =	ssyncadd.s32 $0xFFFFC000  }
0x16: {  	[tilespmem:s7], [sflag:$0x1] =	stream.indirect.gather [hbm4b:s5+s6], $0x80, s11, s6, $0xb8;
	[tilespmem:$0x8400] =	vst v63  }
0x17: {  	_ =	swait.ge [sflag:s12], $0x4000  }
0x18: {  	[sflag:s12] =	ssyncset.done $0x0  }
0x19: {  	s13 =	sadd.s32 $0x8800, s25;
	[sflag:s12] =	ssyncadd.s32 $0xFFFFC000  }
0x1a: {  	[hbm4b:s13+s2] =	stream.linear.scatter [tilespmem:s8], [sflag:$0x3], $0x4000, $0x38;
	[tilespmem:$0x8400] =	vst v63  }
0x1b: {  	_ =	swait.ge [sflag:s3], $0x4000  }
0x1c: {  	[sflag:s3] =	ssyncset.done $0x0  }
0x1d: {  	s14 =	simm.s32 $0x180;
	[sflag:s3] =	ssyncadd.s32 $0xFFFFC000  }
0x1e: {  	[tilespmem:s8], [sflag:$0x2] =	stream.indirect.gather [hbm4b:s5+s6], $0x80, s14, s6, $0xb8;
	[tilespmem:$0x8400] =	vst v63  }
0x1f: {  	_ =	swait.ge [sflag:s9], $0x4000  }
0x20: {  	[sflag:s9] =	ssyncset.done $0x0  }
0x21: {  	s15 =	sadd.s32 $0x9000, s25;
	[sflag:s9] =	ssyncadd.s32 $0xFFFFC000  }
0x22: {  	[hbm4b:s15+s2] =	stream.linear.scatter [tilespmem:s7], [sflag:$0x3], $0x4000, $0x38;
	[tilespmem:$0x8400] =	vst v63  }
0x23: {  	_ =	swait.ge [sflag:s3], $0x4000  }
0x24: {  	[sflag:s3] =	ssyncset.done $0x0  }
0x25: {  	s16 =	simm.s32 $0x200;
	[sflag:s3] =	ssyncadd.s32 $0xFFFFC000  }
0x26: {  	[tilespmem:s7], [sflag:$0x1] =	stream.indirect.gather [hbm4b:s5+s6], $0x80, s16, s6, $0xb8;
	[tilespmem:$0x8400] =	vst v63  }
0x27: {  	_ =	swait.ge [sflag:s12], $0x4000  }
0x28: {  	[sflag:s12] =	ssyncset.done $0x0  }
0x29: {  	s17 =	sadd.s32 $0x9800, s25;
	[sflag:s12] =	ssyncadd.s32 $0xFFFFC000  }
0x2a: {  	[hbm4b:s17+s2] =	stream.linear.scatter [tilespmem:s8], [sflag:$0x3], $0x4000, $0x38;
	[tilespmem:$0x8400] =	vst v63  }
0x2b: {  	_ =	swait.ge [sflag:s3], $0x4000  }
0x2c: {  	[sflag:s3] =	ssyncset.done $0x0  }
0x2d: {  	s18 =	simm.s32 $0x280;
	[sflag:s3] =	ssyncadd.s32 $0xFFFFC000  }
0x2e: {  	[tilespmem:s8], [sflag:$0x2] =	stream.indirect.gather [hbm4b:s5+s6], $0x80, s18, s6, $0xb8;
	[tilespmem:$0x8400] =	vst v63  }
0x2f: {  	_ =	swait.ge [sflag:s9], $0x4000  }
0x30: {  	[sflag:s9] =	ssyncset.done $0x0  }
0x31: {  	s19 =	sadd.s32 $0xA000, s25;
	[sflag:s9] =	ssyncadd.s32 $0xFFFFC000  }
0x32: {  	[hbm4b:s19+s2] =	stream.linear.scatter [tilespmem:s7], [sflag:$0x3], $0x4000, $0x38;
	[tilespmem:$0x8400] =	vst v63  }
0x33: {  	_ =	swait.ge [sflag:s3], $0x4000  }
0x34: {  	[sflag:s3] =	ssyncset.done $0x0  }
0x35: {  	s20 =	simm.s32 $0x300;
	[sflag:s3] =	ssyncadd.s32 $0xFFFFC000  }
0x36: {  	[tilespmem:s7], [sflag:$0x1] =	stream.indirect.gather [hbm4b:s5+s6], $0x80, s20, s6, $0xb8;
	[tilespmem:$0x8400] =	vst v63  }
0x37: {  	_ =	swait.ge [sflag:s12], $0x4000  }
0x38: {  	[sflag:s12] =	ssyncset.done $0x0  }
0x39: {  	s21 =	sadd.s32 $0xA800, s25;
	[sflag:s12] =	ssyncadd.s32 $0xFFFFC000  }
0x3a: {  	[hbm4b:s21+s2] =	stream.linear.scatter [tilespmem:s8], [sflag:$0x3], $0x4000, $0x38;
	[tilespmem:$0x8400] =	vst v63  }
0x3b: {  	_ =	swait.ge [sflag:s3], $0x4000  }
0x3c: {  	[sflag:s3] =	ssyncset.done $0x0  }
0x3d: {  	s22 =	simm.s32 $0x380;
	[sflag:s3] =	ssyncadd.s32 $0xFFFFC000  }
0x3e: {  	[tilespmem:s8], [sflag:$0x2] =	stream.indirect.gather [hbm4b:s5+s6], $0x80, s22, s6, $0xb8;
	[tilespmem:$0x8400] =	vst v63  }
0x3f: {  	_ =	swait.ge [sflag:s9], $0x4000  }
0x40: {  	[sflag:s9] =	ssyncset.done $0x0  }
0x41: {  	s24 =	ssub.s32 $0x2, s24;
	s23 =	sadd.s32 $0xB000, s25;
	[sflag:s9] =	ssyncadd.s32 $0xFFFFC000  }
0x42: {  	[hbm4b:s23+s2] =	stream.linear.scatter [tilespmem:s7], [sflag:$0x3], $0x4000, $0x38;
	[tilespmem:$0x8400] =	vst v63  }
0x43: {  	s26 =	sshrl.u32 s24, $0x1;
	_ =	swait.ge [sflag:s3], $0x4000  }
0x44: {  	s24 =	ssub.s32 s24, s26;
	[sflag:s3] =	ssyncset.done $0x0  }
0x45: {  	s26 =	smax.u32 s24, $0x1;
	[sflag:s3] =	ssyncadd.s32 $0xFFFFC000  }
0x46: {  	p0 =	sne.s32 s26, $0x1;
	_ =	swait.ge [sflag:s12], $0x4000  }
.Ltmp0:
0x47: {  	[sflag:s12] =	ssyncset.done $0x0;
	(pc) =	sbr.rel @!p0 .LBB2_2-.Ltmp0, $4  }
0x48: {  	s24 =	sadd.s32 $0xB800, s25;
	[sflag:s12] =	ssyncadd.s32 $0xFFFFC000  }
0x49: {  	[hbm4b:s24+s2] =	stream.linear.scatter [tilespmem:s8], [sflag:$0x3], $0x4000, $0x38;
	[tilespmem:$0x8400] =	vst v63  }
0x4a: {  	_ =	swait.ge [sflag:s3], $0x4000  }
0x4b: {  	s25 =	sadd.s32 $0xFFFFFFFF, s26;
	[sflag:s3] =	ssyncset.done $0x0  }
.LBB2_1:
0x4c: {  	p0 =	sne.s32 s25, $0x1;
	s25 =	sadd.s32 $0xFFFFFFFF, s25;
	[sflag:s3] =	ssyncadd.s32 $0xFFFFC000  }
0x4d: {  	[tilespmem:s2], [sflag:$0x3] =	stream.linear.gather [hbm4b:s4+s2], $0x400, $0x38;
	[tilespmem:$0x8400] =	vst v63  }
0x4e: {  	_ =	swait.ge [sflag:s3], $0x400  }
0x4f: {  	[sflag:s3] =	ssyncset.done $0x0  }
0x50: {  	[sflag:s3] =	ssyncadd.s32 $0xFFFFFC00  }
0x51: {  	[tilespmem:s7], [sflag:$0x1] =	stream.indirect.gather [hbm4b:s5+s6], $0x80, s2, s6, $0xb8;
	[tilespmem:$0x8400] =	vst v63  }
0x52: {  	_ = 	snop  }
0x53: {  	[tilespmem:s8], [sflag:$0x2] =	stream.indirect.gather [hbm4b:s5+s6], $0x80, s6, s6, $0xb8;
	[tilespmem:$0x8400] =	vst v63  }
0x54: {  	_ =	swait.ge [sflag:s9], $0x4000  }
0x55: {  	[sflag:s9] =	ssyncset.done $0x0  }
0x56: {  	[sflag:s9] =	ssyncadd.s32 $0xFFFFC000  }
0x57: {  	[hbm4b:s10+s2] =	stream.linear.scatter [tilespmem:s7], [sflag:$0x3], $0x4000, $0x38;
	[tilespmem:$0x8400] =	vst v63  }
0x58: {  	_ =	swait.ge [sflag:s3], $0x4000  }
0x59: {  	[sflag:s3] =	ssyncset.done $0x0  }
0x5a: {  	[sflag:s3] =	ssyncadd.s32 $0xFFFFC000  }
0x5b: {  	[tilespmem:s7], [sflag:$0x1] =	stream.indirect.gather [hbm4b:s5+s6], $0x80, s11, s6, $0xb8;
	[tilespmem:$0x8400] =	vst v63  }
0x5c: {  	_ =	swait.ge [sflag:s12], $0x4000  }
0x5d: {  	[sflag:s12] =	ssyncset.done $0x0  }
0x5e: {  	[sflag:s12] =	ssyncadd.s32 $0xFFFFC000  }
0x5f: {  	[hbm4b:s13+s2] =	stream.linear.scatter [tilespmem:s8], [sflag:$0x3], $0x4000, $0x38;
	[tilespmem:$0x8400] =	vst v63  }
0x60: {  	_ =	swait.ge [sflag:s3], $0x4000  }
0x61: {  	[sflag:s3] =	ssyncset.done $0x0  }
0x62: {  	[sflag:s3] =	ssyncadd.s32 $0xFFFFC000  }
0x63: {  	[tilespmem:s8], [sflag:$0x2] =	stream.indirect.gather [hbm4b:s5+s6], $0x80, s14, s6, $0xb8;
	[tilespmem:$0x8400] =	vst v63  }
0x64: {  	_ =	swait.ge [sflag:s9], $0x4000  }
0x65: {  	[sflag:s9] =	ssyncset.done $0x0  }
0x66: {  	[sflag:s9] =	ssyncadd.s32 $0xFFFFC000  }
0x67: {  	[hbm4b:s15+s2] =	stream.linear.scatter [tilespmem:s7], [sflag:$0x3], $0x4000, $0x38;
	[tilespmem:$0x8400] =	vst v63  }
0x68: {  	_ =	swait.ge [sflag:s3], $0x4000  }
0x69: {  	[sflag:s3] =	ssyncset.done $0x0  }
0x6a: {  	[sflag:s3] =	ssyncadd.s32 $0xFFFFC000  }
0x6b: {  	[tilespmem:s7], [sflag:$0x1] =	stream.indirect.gather [hbm4b:s5+s6], $0x80, s16, s6, $0xb8;
	[tilespmem:$0x8400] =	vst v63  }
0x6c: {  	_ =	swait.ge [sflag:s12], $0x4000  }
0x6d: {  	[sflag:s12] =	ssyncset.done $0x0  }
0x6e: {  	[sflag:s12] =	ssyncadd.s32 $0xFFFFC000  }
0x6f: {  	[hbm4b:s17+s2] =	stream.linear.scatter [tilespmem:s8], [sflag:$0x3], $0x4000, $0x38;
	[tilespmem:$0x8400] =	vst v63  }
0x70: {  	_ =	swait.ge [sflag:s3], $0x4000  }
0x71: {  	[sflag:s3] =	ssyncset.done $0x0  }
0x72: {  	[sflag:s3] =	ssyncadd.s32 $0xFFFFC000  }
0x73: {  	[tilespmem:s8], [sflag:$0x2] =	stream.indirect.gather [hbm4b:s5+s6], $0x80, s18, s6, $0xb8;
	[tilespmem:$0x8400] =	vst v63  }
0x74: {  	_ =	swait.ge [sflag:s9], $0x4000  }
0x75: {  	[sflag:s9] =	ssyncset.done $0x0  }
0x76: {  	[sflag:s9] =	ssyncadd.s32 $0xFFFFC000  }
0x77: {  	[hbm4b:s19+s2] =	stream.linear.scatter [tilespmem:s7], [sflag:$0x3], $0x4000, $0x38;
	[tilespmem:$0x8400] =	vst v63  }
0x78: {  	_ =	swait.ge [sflag:s3], $0x4000  }
0x79: {  	[sflag:s3] =	ssyncset.done $0x0  }
0x7a: {  	[sflag:s3] =	ssyncadd.s32 $0xFFFFC000  }
0x7b: {  	[tilespmem:s7], [sflag:$0x1] =	stream.indirect.gather [hbm4b:s5+s6], $0x80, s20, s6, $0xb8;
	[tilespmem:$0x8400] =	vst v63  }
0x7c: {  	_ =	swait.ge [sflag:s12], $0x4000  }
0x7d: {  	[sflag:s12] =	ssyncset.done $0x0  }
0x7e: {  	[sflag:s12] =	ssyncadd.s32 $0xFFFFC000  }
0x7f: {  	[hbm4b:s21+s2] =	stream.linear.scatter [tilespmem:s8], [sflag:$0x3], $0x4000, $0x38;
	[tilespmem:$0x8400] =	vst v63  }
0x80: {  	_ =	swait.ge [sflag:s3], $0x4000  }
0x81: {  	[sflag:s3] =	ssyncset.done $0x0  }
0x82: {  	[sflag:s3] =	ssyncadd.s32 $0xFFFFC000  }
0x83: {  	[tilespmem:s8], [sflag:$0x2] =	stream.indirect.gather [hbm4b:s5+s6], $0x80, s22, s6, $0xb8;
	[tilespmem:$0x8400] =	vst v63  }
0x84: {  	_ =	swait.ge [sflag:s9], $0x4000  }
0x85: {  	[sflag:s9] =	ssyncset.done $0x0  }
0x86: {  	[sflag:s9] =	ssyncadd.s32 $0xFFFFC000  }
0x87: {  	[hbm4b:s23+s2] =	stream.linear.scatter [tilespmem:s7], [sflag:$0x3], $0x4000, $0x38;
	[tilespmem:$0x8400] =	vst v63  }
0x88: {  	_ =	swait.ge [sflag:s3], $0x4000  }
0x89: {  	[sflag:s3] =	ssyncset.done $0x0  }
0x8a: {  	[sflag:s3] =	ssyncadd.s32 $0xFFFFC000  }
0x8b: {  	_ =	swait.ge [sflag:s12], $0x4000  }
.Ltmp1:
0x8c: {  	[sflag:s12] =	ssyncset.done $0x0;
	(pc) =	sbr.rel @p0 .LBB2_1-.Ltmp1, $4  }
0x8d: {  	[sflag:s12] =	ssyncadd.s32 $0xFFFFC000  }
0x8e: {  	[hbm4b:s24+s2] =	stream.linear.scatter [tilespmem:s8], [sflag:$0x3], $0x4000, $0x38;
	[tilespmem:$0x8400] =	vst v63  }
0x8f: {  	_ =	swait.ge [sflag:s3], $0x4000  }
0x90: {  	[sflag:s3] =	ssyncset.done $0x0  }
.LBB2_2:
0x91: {  	[sflag:s3] =	ssyncadd.s32 $0xFFFFC000  }
0x92: {  	_ =	sfence.sel $0x180000  }
0x93: {  	[bflag:$0x0] =	sbarrier.arrive $0xFFFF  }
0x94: {  	p0 =	sne.s32 s0, $0x0;
	_ =	strace $0x90000047  }
0x95: {  	s0 =	sadd.s32 @!p0 $0x100000, s1;
	[bflag:$0x2] =	sbarrier.arrive $0xFFFF  }
0x96: {  	[sflag:s0] =	ssyncadd.tile.s32 @!p0 $0x1;
	_ =	shalt  }
.Lfunc_end2:
_tile_overlayer_lowered:
.L_overlay_start_2:
0x97: {  	(tag) =	ssettag $0x2  }
0x98: {  	s0 =	rddreg [dreg:$0x0];
	s2 =	stileid.u32  }
0x99: {  	s1 =	rddreg [dreg:$0x1];
	p0 =	sne.s32 s2, $0x0  }
0x9a: {  	s3 =	rddreg [dreg:$0x2];
	[bflag:$0x3] =	sbarrier.arrive $0xFFFF;
	s2 =	simm.s32 @!p0 $0x1C03  }
0x9b: {  	[timem:s3], [sflag:s2] =	dma.local @!p0 [hbm:s0], s1  }
0x9c: {  	s0 =	simm.s32 @!p0 $0x3  }
0x9d: {  	_ =	swait.ge @!p0 [sflag:s0], s1  }
0x9e: {  	s1 =	ssub.s32 @!p0 $0x0, s1;
	[sflag:s0] =	ssyncset.done @!p0 $0x0  }
0x9f: {  	[sflag:s0] =	ssyncadd.s32 @!p0 s1  }
0xa0: {  	[bflag:$0x3] =	sbarrier.arrive $0xFFFF  }
0xa1: {  	_ =	shalt  }

// kernel: kernel.13.cloned.1.call-start
scs
__scs_entry_jumppad:
0x0: {  	(pc) =	sbr.rel $0x88, $3  }
0x1: {  	(tag) =	ssettag $0x0;
	lr =	simm.s32 $0x1  }
0x2: {  	[smem:$0x3F94] =	sst lr;
	_ =	strace $0xD0000000  }
0x3: {  	_ = 	snop  }
0x4: {  	_ = 	snop  }
0x5: {  	_ = 	snop  }
0x6: {  	_ = 	snop  }
0x7: {  	_ = 	snop  }
__scs_overlays_trampoline_lowered:
0x8: {  	[smem:$0x3FA3] =	sst s0  }
0x9: {  	[smem:$0x3FA4] =	sst s1  }
0xa: {  	[smem:$0x3FA5] =	sst s2  }
0xb: {  	[smem:$0x3FA6] =	sst s3  }
0xc: {  	[smem:$0x3FA7] =	sst s4  }
0xd: {  	[smem:$0x3FA8] =	sst s5  }
0xe: {  	[smem:$0x3FA9] =	sst s6  }
0xf: {  	[smem:$0x3FAA] =	sst s7  }
0x10: {  	[smem:$0x3FAB] =	sst s8  }
0x11: {  	[smem:$0x3FAC] =	sst s9;
	s0 =	simm.s32 @!p0 $0x0  }
0x12: {  	s1 =	sld [smem:$0x3F92];
	s0 =	simm.s32 @p0 $0x1  }
0x13: {  	[smem:$0x3FAD] =	sst s0;
	s0 =	simm.s32 @!p1 $0x0  }
0x14: {  	s2 =	sld [smem:$0x3F91];
	s0 =	simm.s32 @p1 $0x1  }
0x15: {  	[smem:$0x3FAE] =	sst s0;
	s0 =	simm.s32 @!p2 $0x0  }
0x16: {  	s3 =	sld [smem:$0x3FDB];
	s0 =	simm.s32 @p2 $0x1  }
0x17: {  	s4 =	simm.s32 $0x1BF5;
	[smem:$0x3FB0] =	sst s0  }
0x18: {  	s0 =	sld [smem:$0x3F93];
	_ =	swait.ge [sflag:s4], $0x0  }
0x19: {  	s7 =	sld [smem:$0x3F94]  }
0x1a: {  	s8 =	sadd.s32 $0xFFFFE003, lr  }
0x1b: {  	s9 =	sadd.s32 $0xFFFFFEF7, lr;
	s5 =	simm.s32 $0xFFFFFFFF;
	p2 =	slt.u32 s8, $0xFFFFF086  }
0x1c: {  	p1 =	slt.u32 s9, $0xF7A;
	s5 =	simm.s32 @!p2 $0x0  }
0x1d: {  	s5 =	simm.s32 @p1 $0x1;
	p0 =	seq.s32 s7, s2  }
0x1e: {  	s7 =	smul.u32 @!p0 $0xF7A, s2;
	p2 =	seq.s32 @!p0 s5, $0x0  }
0x1f: {  	s9 =	smul.u32 $0xF7A, s1;
	s8 =	simm.s32 @!p0 $0x1BF5;
	p2 =	por !p2, p0  }
0x20: {  	[sflag:s8] =	ssyncset.s32 @!p0 $0xFFFFF086;
	s6 =	sadd.s32 @!p0 s3, s7;
	s7 =	simm.s32 @!p0 $0x108  }
0x21: {  	s3 =	sadd.s32 s3, s9;
	s6 =	sadd.s32 @!p0 $0x88, s6;
	s7 =	simm.s32 @p2 $0x1082  }
0x22: {  	[simem:s7], [sflag:s8] =	dma.local @!p0 [hbm:s6], $0xF7A  }
0x23: {  	s9 =	sor.u32 $0xD0000000, s2;
	s6 =	simm.s32 $0x108;
	_ =	swait.ge @!p0 [sflag:s8], $0x0  }
0x24: {  	s3 =	sadd.s32 $0x88, s3;
	s6 =	simm.s32 @!p1 $0x1082;
	[sflag:s4] =	ssyncset.s32 $0xFFFFF086  }
0x25: {  	[simem:s6], [sflag:s4] =	dma.local [hbm:s3], $0xF7A  }
0x26: {  	[smem:$0x3F94] =	sst s1;
	(tag) =	ssettag s2;
	_ =	strace s9  }
0x27: {  	s1 =	sld [smem:$0x3FA4]  }
0x28: {  	s2 =	sld [smem:$0x3FA5]  }
0x29: {  	s4 =	sld [smem:$0x3FA7]  }
0x2a: {  	p0 =	seq.s32 s5, $0x0;
	s5 =	sld [smem:$0x3FA8]  }
0x2b: {  	s6 =	sld [smem:$0x3FA9]  }
0x2c: {  	s7 =	sld [smem:$0x3FAA]  }
0x2d: {  	s3 =	simm.s32 $0x108;
	s8 =	sld [smem:$0x3FAB]  }
0x2e: {  	s3 =	simm.s32 @!p0 $0x1082;
	s9 =	sld [smem:$0x3FAC]  }
0x2f: {  	lr =	sadd.s32 s0, s3;
	s0 =	sld [smem:$0x3FA3]  }
0x30: {  	s3 =	sld [smem:$0x3FA6]  }
0x31: {  	[smem:$0x3FAF] =	sst s10  }
0x32: {  	s10 =	sld [smem:$0x3FAD];
	_ =	sdelay $0x3  }
0x33: {  	p0 =	seq.s32 s10, $0x1;
	s10 =	sld [smem:$0x3FAF];
	_ =	sdelay $0x3  }
0x34: {  	[smem:$0x3FAF] =	sst s10  }
0x35: {  	s10 =	sld [smem:$0x3FAE];
	_ =	sdelay $0x3  }
0x36: {  	p1 =	seq.s32 s10, $0x1;
	s10 =	sld [smem:$0x3FAF];
	_ =	sdelay $0x3  }
0x37: {  	[smem:$0x3FAF] =	sst s10  }
0x38: {  	s10 =	sld [smem:$0x3FB0]  }
0x39: {  	_ = 	snop;
	(pc) =	sbr.ind lr, $3  }
0x3a: {  	_ = 	snop  }
0x3b: {  	_ = 	snop  }
0x3c: {  	p2 =	seq.s32 s10, $0x1;
	s10 =	sld [smem:$0x3FAF]  }
0x3d: {  	_ =	shalt  }
0x3e: {  	_ =	shalt  }
0x3f: {  	_ =	shalt  }
0x40: {  	_ =	shalt  }
0x41: {  	_ =	shalt  }
0x42: {  	_ =	shalt  }
0x43: {  	_ =	shalt  }
0x44: {  	_ =	shalt  }
0x45: {  	_ =	shalt  }
0x46: {  	_ =	shalt  }
0x47: {  	_ =	shalt  }
0x48: {  	_ =	shalt  }
0x49: {  	_ =	shalt  }
0x4a: {  	_ =	shalt  }
0x4b: {  	_ =	shalt  }
0x4c: {  	_ =	shalt  }
0x4d: {  	_ =	shalt  }
0x4e: {  	_ =	shalt  }
0x4f: {  	_ =	shalt  }
0x50: {  	_ =	shalt  }
0x51: {  	_ =	shalt  }
0x52: {  	_ =	shalt  }
0x53: {  	_ =	shalt  }
0x54: {  	_ =	shalt  }
0x55: {  	_ =	shalt  }
0x56: {  	_ =	shalt  }
0x57: {  	_ =	shalt  }
0x58: {  	_ =	shalt  }
0x59: {  	_ =	shalt  }
0x5a: {  	_ =	shalt  }
0x5b: {  	_ =	shalt  }
0x5c: {  	_ =	shalt  }
0x5d: {  	_ =	shalt  }
0x5e: {  	_ =	shalt  }
0x5f: {  	_ =	shalt  }
0x60: {  	_ =	shalt  }
0x61: {  	_ =	shalt  }
0x62: {  	_ =	shalt  }
0x63: {  	_ =	shalt  }
0x64: {  	_ =	shalt  }
0x65: {  	_ =	shalt  }
0x66: {  	_ =	shalt  }
0x67: {  	_ =	shalt  }
0x68: {  	_ =	shalt  }
0x69: {  	_ =	shalt  }
0x6a: {  	_ =	shalt  }
0x6b: {  	_ =	shalt  }
0x6c: {  	_ =	shalt  }
0x6d: {  	_ =	shalt  }
0x6e: {  	_ =	shalt  }
0x6f: {  	_ =	shalt  }
0x70: {  	_ =	shalt  }
0x71: {  	_ =	shalt  }
0x72: {  	_ =	shalt  }
0x73: {  	_ =	shalt  }
0x74: {  	_ =	shalt  }
0x75: {  	_ =	shalt  }
0x76: {  	_ =	shalt  }
0x77: {  	_ =	shalt  }
0x78: {  	_ =	shalt  }
0x79: {  	_ =	shalt  }
0x7a: {  	_ =	shalt  }
0x7b: {  	_ =	shalt  }
0x7c: {  	_ =	shalt  }
0x7d: {  	_ =	shalt  }
0x7e: {  	_ =	shalt  }
0x7f: {  	_ =	shalt  }
0x80: {  	_ =	shalt  }
0x81: {  	_ =	shalt  }
0x82: {  	_ =	shalt  }
0x83: {  	_ =	shalt  }
0x84: {  	_ =	shalt  }
0x85: {  	_ =	shalt  }
0x86: {  	_ =	shalt  }
0x87: {  	_ =	shalt  }
.Lfunc_end0:
.L_simem_size_0:
called_computation.1_lowered:
.L_overlay_start_0:
0x88: {  	s2 =	sld [smem:$0x3FD9]  }
0x89: {  	s3 =	sld [smem:$0x3FFE];
	_ =	sdelay $0x1  }
0x8a: {  	s1 =	srdreg.scid  }
0x8b: {  	s0 =	sand.u32 $0x1, s1  }
0x8c: {  	s17 =	sshll.u32 s0, $0xA;
	s2 =	sadd.s32 s3, s2  }
0x8d: {  	s2 =	sadd.s32 s2, s17  }
0x8e: {  	[smem:$0x3FBB] =	sst s2  }
0x8f: {  	_ = 	snop  }
0x90: {  	(tm) =	ssettm $0x1  }
0x91: {  	s18 =	sld [smem:$0x3FFB];
	_ =	sdelay $0x3  }
0x92: {  	_ =	strace s18  }
0x93: {  	s2 =	sld [smem:$0x3FFC];
	_ =	sdelay $0x3  }
0x94: {  	_ =	strace s2  }
0x95: {  	s2 =	sld [smem:$0x3FFD];
	_ =	sdelay $0x3  }
0x96: {  	_ =	strace s2  }
0x97: {  	_ =	strace $0x8FFFFFFF  }
0x98: {  	s19 =	sld [smem:$0x3FDB];
	_ =	sdelay $0x1  }
0x99: {  	s20 =	simm.s32 $_scs_section_size  }
0x9a: {  	s4 =	simm.s32 $_size__tile_overlayer_lowered;
	s5 =	simm.s32 $_tile_overlayer_lowered  }
0x9b: {  	s6 =	simm.s32 $0x1BFF;
	s21 =	sshll.u32 s5, $0x1;
	s3 =	sadd.s32 s20, s19  }
0x9c: {  	s22 =	simm.s32 $0x0;
	s4 =	sshll.u32 s4, $0x1;
	s5 =	sadd.s32 s21, s3  }
0x9d: {  	[timem:s22], [sflag:s6] =	dma.local [hbm:s5], s4  }
0x9e: {  	_ =	swait.ge [sflag:s6], s4  }
0x9f: {  	s4 =	ssub.s32 $0x0, s4;
	[sflag:s6] =	ssyncset.done $0x0  }
0xa0: {  	[sflag:s6] =	ssyncadd.s32 s4;
	_ =	sdelay $0x1  }
0xa1: {  	s23 =	simm.s32 $0x1B8B  }
0xa2: {  	_ =	swait.ge [sflag:s23], $0x1  }
0xa3: {  	[sflag:s23] =	ssyncset.done $0x0  }
0xa4: {  	[sflag:s23] =	ssyncadd.s32 $0xFFFFFFFF  }
0xa5: {  	s4 =	sld [smem:$0x0]  }
0xa6: {  	s5 =	sand.u32 $0xFFFFFFFE, s1  }
0xa7: {  	p0 =	sne.s32 s1, s5  }
0xa8: {  	s5 =	sshll.u32 @p0 s5, $0xE  }
0xa9: {  	s5 =	sadd.s32 @p0 $0x11B8D, s5;
	s6 =	sshll.u32 @p0 s4, $0x11  }
0xaa: {  	s5 =	sor.u32 @p0 s6, s5  }
0xab: {  	[sflag:s5] =	ssyncadd.remote.s32 @p0 $0x1;
	_ =	sdelay $0x1  }
0xac: {  	s5 =	simm.s32 @p0 $0x1B8D  }
0xad: {  	_ =	swait.eq @p0 [sflag:s5], $0x1  }
0xae: {  	[sflag:s5] =	ssyncadd.s32 @p0 $0xFFFFFFFF  }
0xaf: {  	s6 =	sshll.u32 @!p0 s1, $0xE  }
0xb0: {  	s6 =	sor.u32 @!p0 $0x4000, s6;
	s5 =	simm.s32 @!p0 $0x1B8D  }
0xb1: {  	s4 =	sshll.u32 @!p0 s4, $0x11;
	s6 =	sadd.s32 @!p0 $0x11B8D, s6;
	_ =	swait.eq @!p0 [sflag:s5], $0x1  }
0xb2: {  	s4 =	sor.u32 @!p0 s4, s6;
	[sflag:s5] =	ssyncadd.s32 @!p0 $0xFFFFFFFF  }
0xb3: {  	s25 =	simm.s32 $0x1B8E;
	s24 =	sld [smem:$0x3FFE];
	[sflag:s4] =	ssyncadd.remote.s32 @!p0 $0x1  }
0xb4: {  	s26 =	simm.s32 $execute0_lowered;
	[smem:$0x3FD2] =	sst s25  }
0xb5: {  	s5 =	sshll.u32 s26, $0x1;
	_ =	strace $0x80000049;
	[dreg:$0x1] =	wrdreg $0xFFFFFFFF  }
0xb6: {  	s28 =	simm.s32 $_size_execute0_lowered;
	s3 =	sadd.s32 s3, s5;
	[dreg:$0x0] =	wrdreg $0x0  }
0xb7: {  	s5 =	sshll.u32 s28, $0x1;
	[dreg:$0x2] =	wrdreg s3  }
0xb8: {  	[dreg:$0x3] =	wrdreg s5  }
0xb9: {  	[dreg:$0x4] =	wrdreg $0xC0  }
0xba: {  	_ =	task [dreg:s22], $0x5FFFF  }
0xbb: {  	[dreg:$0x1] =	wrdreg $0xFFFFFFFF  }
0xbc: {  	[dreg:$0x0] =	wrdreg $0x60  }
0xbd: {  	[dreg:$0x2] =	wrdreg s24  }
0xbe: {  	[dreg:$0x3] =	wrdreg $0xA  }
0xbf: {  	_ =	task.clear_ibuf [dreg:s22], $0x4FFFF;
	_ =	strace $0x90000049  }
0xc0: {  	s29 =	simm.s32 $0xA;
	_ =	strace $0x8000004B  }
0xc1: {  	_ =	swait.ge [sflag:s29], $0x1  }
0xc2: {  	[sflag:s29] =	ssyncadd.s32 $0xFFFFFFFF  }
0xc3: {  	_ =	strace $0x9000004B  }
0xc4: {  	_ =	sfence  }
0xc5: {  	s30 =	sld [smem:$0x0];
	_ =	sdelay $0x2  }
0xc6: {  	s31 =	sshll.u32 s1, $0xD;
	s1 =	sshrl.u32 s1, $0x2  }
0xc7: {  	s4 =	sand.u32 $0x4000, s31;
	s1 =	sadd.s32 s1, s30  }
0xc8: {  	s0 =	sor.u32 s4, s0;
	s1 =	sshll.u32 s1, $0x11  }
0xc9: {  	s0 =	sor.u32 s1, s0  }
0xca: {  	s0 =	sadd.s32 $0x8F2B, s0  }
0xcb: {  	[sflag:s0] =	ssyncadd.remote.s32 $0x1  }
0xcc: {  	_ =	sfence.sel $0xFFFF  }
0xcd: {  	[dreg:$0x0] =	wrdreg $0xFFFFFFFF;
	(pc) =	sbr.abs _section_cstart, $3  }
0xce: {  	[dreg:$0x1] =	wrdreg $0xFFFFFFFF  }
0xcf: {  	_ =	task.clear_ibuf [dreg:s22], $0x2FFFF;
	_ =	strace $0x9FFFFFFF  }
0xd0: {  	(tm) =	ssettm $0x7FFFFFFF  }
0xd1: {  	_ =	shalt  }
tec
execute0_lowered:
.L_overlay_start_1:
0x0: {  	(tag) =	ssettag $0x1  }
0x1: {  	s1 =	srdreg.scid  }
0x2: {  	s0 =	stileid.u32;
	s4 =	rddreg [dreg:$0x0];
	s2 =	simm.s32 $0x0  }
0x3: {  	s14 =	simm.s32 $0x1;
	s15 =	simm.s32 $0x2;
	s12 =	smul.u32 $0x18000, s0  }
0x4: {  	s16 =	simm.s32 $0x0;
	s7 =	sand.u32 $0x1, s1;
	s24 =	smul.u32 $0xC0000, s0  }
0x5: {  	s3 =	sshll.u32 s0, $0x1;
	s1 =	rddreg [dreg:$0x1];
	s26 =	smul.u32 $0x60000, s7  }
0x6: {  	[smem:$0x7FF] =	sst s2;
	s5 =	sor.u32 s7, s3;
	s13 =	smul.u32 $0xC000, s7  }
0x7: {  	s11 =	sadd.s32 $0x8B000, s4;
	_ =	strace $0x8000004A;
	s6 =	smul.u32 $0x180, s5  }
0x8: {  	s3 =	sadd.s32 $0x4000, s4;
	s9 =	ssub.s32 $0x2, s7;
	s8 =	smul.u32 $0x60000, s5  }
0x9: {  	s10 =	smul.u32 $0xC000, s5;
	s22 =	sshrl.u32 s9, $0x1;
	s29 =	sadd.s32 s12, s11  }
0xa: {  	s12 =	simm.s32 $0xC00;
	s23 =	ssub.s32 s9, s22;
	s30 =	sadd.s32 s13, s29  }
0xb: {  	s13 =	simm.s32 $0x4C00;
	s6 =	sadd.s32 s6, s4;
	s8 =	sshrl.u32 s8, $0x3  }
0xc: {  	s5 =	smax.u32 s23, $0x1;
	s28 =	sadd.s32 s10, s11;
	s10 =	simm.s32 $0x3  }
0xd: {  	s4 =	sadd.s32 $0x88000, s6;
	s25 =	sadd.s32 s11, s8;
	s8 =	sadd.s32 s26, s24  }
0xe: {  	s7 =	sadd.s32 $0xB800, s28;
	s6 =	sadd.s32 $0xB000, s25;
	s31 =	sshrl.u32 s8, $0x3  }
0xf: {  	s8 =	sadd.s32 $0x800, s30;
	s9 =	sadd.s32 s31, s11;
	s11 =	simm.s32 $0x80  }
.LBB2_1:
0x10: {  	[tilespmem:s2], [sflag:$0x3] =	stream.linear.gather [hbm4b:s4+s2], $0xC00, $0x38;
	[tilespmem:$0x8C00] =	vst v63  }
0x11: {  	_ =	swait.ge [sflag:s10], $0xC00  }
0x12: {  	[sflag:s10] =	ssyncset.done $0x0  }
0x13: {  	[sflag:s10] =	ssyncadd.s32 $0xFFFFF400  }
0x14: {  	[tilespmem:s12], [sflag:$0x1] =	stream.indirect.gather [hbm4b:s3+s11], $0x80, s2, s11, $0xb8;
	[tilespmem:$0x8C00] =	vst v63  }
0x15: {  	_ = 	snop  }
0x16: {  	[tilespmem:s13], [sflag:$0x2] =	stream.indirect.gather [hbm4b:s3+s11], $0x80, s11, s11, $0xb8;
	[tilespmem:$0x8C00] =	vst v63  }
0x17: {  	_ =	swait.ge [sflag:s14], $0x4000  }
0x18: {  	[sflag:s14] =	ssyncset.done $0x0  }
0x19: {  	s17 =	sadd.s32 $0x0, s9;
	[sflag:s14] =	ssyncadd.s32 $0xFFFFC000  }
0x1a: {  	[hbm4b:s17+s2] =	stream.linear.scatter [tilespmem:s12], [sflag:$0x3], $0x4000, $0x38;
	[tilespmem:$0x8C00] =	vst v63  }
0x1b: {  	_ =	swait.ge [sflag:s10], $0x4000  }
0x1c: {  	[sflag:s10] =	ssyncset.done $0x0  }
0x1d: {  	s30 =	simm.s32 $0x100;
	[sflag:s10] =	ssyncadd.s32 $0xFFFFC000  }
0x1e: {  	[tilespmem:s12], [sflag:$0x1] =	stream.indirect.gather [hbm4b:s3+s11], $0x80, s30, s11, $0xb8;
	[tilespmem:$0x8C00] =	vst v63  }
0x1f: {  	_ =	swait.ge [sflag:s15], $0x4000  }
0x20: {  	[sflag:s15] =	ssyncset.done $0x0  }
0x21: {  	s31 =	sadd.s32 $0x0, s8;
	[sflag:s15] =	ssyncadd.s32 $0xFFFFC000  }
0x22: {  	[hbm4b:s31+s2] =	stream.linear.scatter [tilespmem:s13], [sflag:$0x3], $0x4000, $0x38;
	[tilespmem:$0x8C00] =	vst v63  }
0x23: {  	_ =	swait.ge [sflag:s10], $0x4000  }
0x24: {  	s18 =	simm.s32 $0x1000;
	[sflag:s10] =	ssyncset.done $0x0  }
0x25: {  	s19 =	simm.s32 $0x280;
	s17 =	simm.s32 $0x180;
	[sflag:s10] =	ssyncadd.s32 $0xFFFFC000  }
.LBB2_2:
0x26: {  	[tilespmem:s13], [sflag:$0x2] =	stream.indirect.gather [hbm4b:s3+s11], $0x80, s17, s11, $0xb8;
	[tilespmem:$0x8C00] =	vst v63  }
0x27: {  	s20 =	smov.u32 s18;
	s17 =	smov.u32 s19  }
0x28: {  	p0 =	sne.s32 s18, $0xA000;
	s18 =	sadd.s32 $0x1000, s18;
	_ =	swait.ge [sflag:s14], $0x4000  }
0x29: {  	[sflag:s14] =	ssyncset.done $0x0  }
0x2a: {  	s21 =	sadd.s32 s20, s9;
	[sflag:s14] =	ssyncadd.s32 $0xFFFFC000  }
0x2b: {  	[hbm4b:s21+s2] =	stream.linear.scatter [tilespmem:s12], [sflag:$0x3], $0x4000, $0x38;
	[tilespmem:$0x8C00] =	vst v63  }
0x2c: {  	_ =	swait.ge [sflag:s10], $0x4000  }
0x2d: {  	[sflag:s10] =	ssyncset.done $0x0  }
0x2e: {  	s21 =	sadd.s32 $0xFFFFFF80, s19;
	[sflag:s10] =	ssyncadd.s32 $0xFFFFC000  }
0x2f: {  	[tilespmem:s12], [sflag:$0x1] =	stream.indirect.gather [hbm4b:s3+s11], $0x80, s21, s11, $0xb8;
	[tilespmem:$0x8C00] =	vst v63  }
0x30: {  	_ =	swait.ge [sflag:s15], $0x4000  }
0x31: {  	[sflag:s15] =	ssyncset.done $0x0  }
.Ltmp0:
0x32: {  	s20 =	sadd.s32 s20, s8;
	[sflag:s15] =	ssyncadd.s32 $0xFFFFC000;
	(pc) =	sbr.rel @p0 .LBB2_2-.Ltmp0, $4  }
0x33: {  	[hbm4b:s20+s2] =	stream.linear.scatter [tilespmem:s13], [sflag:$0x3], $0x4000, $0x38;
	[tilespmem:$0x8C00] =	vst v63  }
0x34: {  	_ =	swait.ge [sflag:s10], $0x4000  }
0x35: {  	[sflag:s10] =	ssyncset.done $0x0  }
0x36: {  	s19 =	sadd.s32 $0x100, s19;
	[sflag:s10] =	ssyncadd.s32 $0xFFFFC000  }
0x37: {  	[tilespmem:s13], [sflag:$0x2] =	stream.indirect.gather [hbm4b:s3+s11], $0x80, s17, s11, $0xb8;
	[tilespmem:$0x8C00] =	vst v63  }
0x38: {  	_ =	swait.ge [sflag:s14], $0x4000  }
0x39: {  	[sflag:s14] =	ssyncset.done $0x0  }
0x3a: {  	[sflag:s14] =	ssyncadd.s32 $0xFFFFC000  }
0x3b: {  	[hbm4b:s6+s2] =	stream.linear.scatter [tilespmem:s12], [sflag:$0x3], $0x4000, $0x38;
	[tilespmem:$0x8C00] =	vst v63  }
0x3c: {  	_ =	swait.ge [sflag:s10], $0x4000  }
0x3d: {  	[sflag:s10] =	ssyncset.done $0x0  }
0x3e: {  	[sflag:s10] =	ssyncadd.s32 $0xFFFFC000  }
0x3f: {  	s16 =	sadd.s32 $0x1, s16;
	_ =	swait.ge [sflag:s15], $0x4000  }
0x40: {  	p0 =	sne.s32 s16, s5;
	[sflag:s15] =	ssyncset.done $0x0  }
.Ltmp1:
0x41: {  	[sflag:s15] =	ssyncadd.s32 $0xFFFFC000;
	(pc) =	sbr.rel @p0 .LBB2_1-.Ltmp1, $4  }
0x42: {  	[hbm4b:s7+s2] =	stream.linear.scatter [tilespmem:s13], [sflag:$0x3], $0x4000, $0x38;
	[tilespmem:$0x8C00] =	vst v63  }
0x43: {  	_ =	swait.ge [sflag:s10], $0x4000  }
0x44: {  	[sflag:s10] =	ssyncset.done $0x0  }
0x45: {  	[sflag:s10] =	ssyncadd.s32 $0xFFFFC000  }
0x46: {  	_ =	sfence.sel $0x180000  }
0x47: {  	[bflag:$0x0] =	sbarrier.arrive $0xFFFF  }
0x48: {  	p0 =	sne.s32 s0, $0x0;
	_ =	strace $0x9000004A  }
0x49: {  	s0 =	sadd.s32 @!p0 $0x100000, s1;
	[bflag:$0x2] =	sbarrier.arrive $0xFFFF  }
0x4a: {  	[sflag:s0] =	ssyncadd.tile.s32 @!p0 $0x1;
	_ =	shalt  }
.Lfunc_end2:
_tile_overlayer_lowered:
.L_overlay_start_2:
0x4b: {  	(tag) =	ssettag $0x2  }
0x4c: {  	s0 =	rddreg [dreg:$0x0];
	s2 =	stileid.u32  }
0x4d: {  	s1 =	rddreg [dreg:$0x1];
	p0 =	sne.s32 s2, $0x0  }
0x4e: {  	s3 =	rddreg [dreg:$0x2];
	[bflag:$0x3] =	sbarrier.arrive $0xFFFF;
	s2 =	simm.s32 @!p0 $0x1C03  }
0x4f: {  	[timem:s3], [sflag:s2] =	dma.local @!p0 [hbm:s0], s1  }
0x50: {  	s0 =	simm.s32 @!p0 $0x3  }
0x51: {  	_ =	swait.ge @!p0 [sflag:s0], s1  }
0x52: {  	s1 =	ssub.s32 @!p0 $0x0, s1;
	[sflag:s0] =	ssyncset.done @!p0 $0x0  }
0x53: {  	[sflag:s0] =	ssyncadd.s32 @!p0 s1  }
0x54: {  	[bflag:$0x3] =	sbarrier.arrive $0xFFFF  }
0x55: {  	_ =	shalt  }

// kernel: kernel.16.cloned.1.call-start
scs
__scs_entry_jumppad:
0x0: {  	(pc) =	sbr.rel $0x88, $3  }
0x1: {  	(tag) =	ssettag $0x0;
	lr =	simm.s32 $0x1  }
0x2: {  	[smem:$0x3F94] =	sst lr;
	_ =	strace $0xD0000000  }
0x3: {  	_ = 	snop  }
0x4: {  	_ = 	snop  }
0x5: {  	_ = 	snop  }
0x6: {  	_ = 	snop  }
0x7: {  	_ = 	snop  }
__scs_overlays_trampoline_lowered:
0x8: {  	[smem:$0x3FA3] =	sst s0  }
0x9: {  	[smem:$0x3FA4] =	sst s1  }
0xa: {  	[smem:$0x3FA5] =	sst s2  }
0xb: {  	[smem:$0x3FA6] =	sst s3  }
0xc: {  	[smem:$0x3FA7] =	sst s4  }
0xd: {  	[smem:$0x3FA8] =	sst s5  }
0xe: {  	[smem:$0x3FA9] =	sst s6  }
0xf: {  	[smem:$0x3FAA] =	sst s7  }
0x10: {  	[smem:$0x3FAB] =	sst s8  }
0x11: {  	[smem:$0x3FAC] =	sst s9;
	s0 =	simm.s32 @!p0 $0x0  }
0x12: {  	s1 =	sld [smem:$0x3F92];
	s0 =	simm.s32 @p0 $0x1  }
0x13: {  	[smem:$0x3FAD] =	sst s0;
	s0 =	simm.s32 @!p1 $0x0  }
0x14: {  	s2 =	sld [smem:$0x3F91];
	s0 =	simm.s32 @p1 $0x1  }
0x15: {  	[smem:$0x3FAE] =	sst s0;
	s0 =	simm.s32 @!p2 $0x0  }
0x16: {  	s3 =	sld [smem:$0x3FDB];
	s0 =	simm.s32 @p2 $0x1  }
0x17: {  	s4 =	simm.s32 $0x1BF5;
	[smem:$0x3FB0] =	sst s0  }
0x18: {  	s0 =	sld [smem:$0x3F93];
	_ =	swait.ge [sflag:s4], $0x0  }
0x19: {  	s7 =	sld [smem:$0x3F94]  }
0x1a: {  	s8 =	sadd.s32 $0xFFFFE003, lr  }
0x1b: {  	s9 =	sadd.s32 $0xFFFFFEF7, lr;
	s5 =	simm.s32 $0xFFFFFFFF;
	p2 =	slt.u32 s8, $0xFFFFF086  }
0x1c: {  	p1 =	slt.u32 s9, $0xF7A;
	s5 =	simm.s32 @!p2 $0x0  }
0x1d: {  	s5 =	simm.s32 @p1 $0x1;
	p0 =	seq.s32 s7, s2  }
0x1e: {  	s7 =	smul.u32 @!p0 $0xF7A, s2;
	p2 =	seq.s32 @!p0 s5, $0x0  }
0x1f: {  	s9 =	smul.u32 $0xF7A, s1;
	s8 =	simm.s32 @!p0 $0x1BF5;
	p2 =	por !p2, p0  }
0x20: {  	[sflag:s8] =	ssyncset.s32 @!p0 $0xFFFFF086;
	s6 =	sadd.s32 @!p0 s3, s7;
	s7 =	simm.s32 @!p0 $0x108  }
0x21: {  	s3 =	sadd.s32 s3, s9;
	s6 =	sadd.s32 @!p0 $0x88, s6;
	s7 =	simm.s32 @p2 $0x1082  }
0x22: {  	[simem:s7], [sflag:s8] =	dma.local @!p0 [hbm:s6], $0xF7A  }
0x23: {  	s9 =	sor.u32 $0xD0000000, s2;
	s6 =	simm.s32 $0x108;
	_ =	swait.ge @!p0 [sflag:s8], $0x0  }
0x24: {  	s3 =	sadd.s32 $0x88, s3;
	s6 =	simm.s32 @!p1 $0x1082;
	[sflag:s4] =	ssyncset.s32 $0xFFFFF086  }
0x25: {  	[simem:s6], [sflag:s4] =	dma.local [hbm:s3], $0xF7A  }
0x26: {  	[smem:$0x3F94] =	sst s1;
	(tag) =	ssettag s2;
	_ =	strace s9  }
0x27: {  	s1 =	sld [smem:$0x3FA4]  }
0x28: {  	s2 =	sld [smem:$0x3FA5]  }
0x29: {  	s4 =	sld [smem:$0x3FA7]  }
0x2a: {  	p0 =	seq.s32 s5, $0x0;
	s5 =	sld [smem:$0x3FA8]  }
0x2b: {  	s6 =	sld [smem:$0x3FA9]  }
0x2c: {  	s7 =	sld [smem:$0x3FAA]  }
0x2d: {  	s3 =	simm.s32 $0x108;
	s8 =	sld [smem:$0x3FAB]  }
0x2e: {  	s3 =	simm.s32 @!p0 $0x1082;
	s9 =	sld [smem:$0x3FAC]  }
0x2f: {  	lr =	sadd.s32 s0, s3;
	s0 =	sld [smem:$0x3FA3]  }
0x30: {  	s3 =	sld [smem:$0x3FA6]  }
0x31: {  	[smem:$0x3FAF] =	sst s10  }
0x32: {  	s10 =	sld [smem:$0x3FAD];
	_ =	sdelay $0x3  }
0x33: {  	p0 =	seq.s32 s10, $0x1;
	s10 =	sld [smem:$0x3FAF];
	_ =	sdelay $0x3  }
0x34: {  	[smem:$0x3FAF] =	sst s10  }
0x35: {  	s10 =	sld [smem:$0x3FAE];
	_ =	sdelay $0x3  }
0x36: {  	p1 =	seq.s32 s10, $0x1;
	s10 =	sld [smem:$0x3FAF];
	_ =	sdelay $0x3  }
0x37: {  	[smem:$0x3FAF] =	sst s10  }
0x38: {  	s10 =	sld [smem:$0x3FB0]  }
0x39: {  	_ = 	snop;
	(pc) =	sbr.ind lr, $3  }
0x3a: {  	_ = 	snop  }
0x3b: {  	_ = 	snop  }
0x3c: {  	p2 =	seq.s32 s10, $0x1;
	s10 =	sld [smem:$0x3FAF]  }
0x3d: {  	_ =	shalt  }
0x3e: {  	_ =	shalt  }
0x3f: {  	_ =	shalt  }
0x40: {  	_ =	shalt  }
0x41: {  	_ =	shalt  }
0x42: {  	_ =	shalt  }
0x43: {  	_ =	shalt  }
0x44: {  	_ =	shalt  }
0x45: {  	_ =	shalt  }
0x46: {  	_ =	shalt  }
0x47: {  	_ =	shalt  }
0x48: {  	_ =	shalt  }
0x49: {  	_ =	shalt  }
0x4a: {  	_ =	shalt  }
0x4b: {  	_ =	shalt  }
0x4c: {  	_ =	shalt  }
0x4d: {  	_ =	shalt  }
0x4e: {  	_ =	shalt  }
0x4f: {  	_ =	shalt  }
0x50: {  	_ =	shalt  }
0x51: {  	_ =	shalt  }
0x52: {  	_ =	shalt  }
0x53: {  	_ =	shalt  }
0x54: {  	_ =	shalt  }
0x55: {  	_ =	shalt  }
0x56: {  	_ =	shalt  }
0x57: {  	_ =	shalt  }
0x58: {  	_ =	shalt  }
0x59: {  	_ =	shalt  }
0x5a: {  	_ =	shalt  }
0x5b: {  	_ =	shalt  }
0x5c: {  	_ =	shalt  }
0x5d: {  	_ =	shalt  }
0x5e: {  	_ =	shalt  }
0x5f: {  	_ =	shalt  }
0x60: {  	_ =	shalt  }
0x61: {  	_ =	shalt  }
0x62: {  	_ =	shalt  }
0x63: {  	_ =	shalt  }
0x64: {  	_ =	shalt  }
0x65: {  	_ =	shalt  }
0x66: {  	_ =	shalt  }
0x67: {  	_ =	shalt  }
0x68: {  	_ =	shalt  }
0x69: {  	_ =	shalt  }
0x6a: {  	_ =	shalt  }
0x6b: {  	_ =	shalt  }
0x6c: {  	_ =	shalt  }
0x6d: {  	_ =	shalt  }
0x6e: {  	_ =	shalt  }
0x6f: {  	_ =	shalt  }
0x70: {  	_ =	shalt  }
0x71: {  	_ =	shalt  }
0x72: {  	_ =	shalt  }
0x73: {  	_ =	shalt  }
0x74: {  	_ =	shalt  }
0x75: {  	_ =	shalt  }
0x76: {  	_ =	shalt  }
0x77: {  	_ =	shalt  }
0x78: {  	_ =	shalt  }
0x79: {  	_ =	shalt  }
0x7a: {  	_ =	shalt  }
0x7b: {  	_ =	shalt  }
0x7c: {  	_ =	shalt  }
0x7d: {  	_ =	shalt  }
0x7e: {  	_ =	shalt  }
0x7f: {  	_ =	shalt  }
0x80: {  	_ =	shalt  }
0x81: {  	_ =	shalt  }
0x82: {  	_ =	shalt  }
0x83: {  	_ =	shalt  }
0x84: {  	_ =	shalt  }
0x85: {  	_ =	shalt  }
0x86: {  	_ =	shalt  }
0x87: {  	_ =	shalt  }
.Lfunc_end0:
.L_simem_size_0:
called_computation.2_lowered:
.L_overlay_start_0:
0x88: {  	s2 =	sld [smem:$0x3FD9]  }
0x89: {  	s3 =	sld [smem:$0x3FFE];
	_ =	sdelay $0x1  }
0x8a: {  	s1 =	srdreg.scid  }
0x8b: {  	s0 =	sand.u32 $0x1, s1  }
0x8c: {  	s17 =	sshll.u32 s0, $0xA;
	s2 =	sadd.s32 s3, s2  }
0x8d: {  	s2 =	sadd.s32 s2, s17  }
0x8e: {  	[smem:$0x3FBB] =	sst s2  }
0x8f: {  	_ = 	snop  }
0x90: {  	(tm) =	ssettm $0x1  }
0x91: {  	s18 =	sld [smem:$0x3FFB];
	_ =	sdelay $0x3  }
0x92: {  	_ =	strace s18  }
0x93: {  	s2 =	sld [smem:$0x3FFC];
	_ =	sdelay $0x3  }
0x94: {  	_ =	strace s2  }
0x95: {  	s2 =	sld [smem:$0x3FFD];
	_ =	sdelay $0x3  }
0x96: {  	_ =	strace s2  }
0x97: {  	_ =	strace $0x8FFFFFFF  }
0x98: {  	s19 =	sld [smem:$0x3FDB];
	_ =	sdelay $0x1  }
0x99: {  	s20 =	simm.s32 $_scs_section_size  }
0x9a: {  	s4 =	simm.s32 $_size__tile_overlayer_lowered;
	s5 =	simm.s32 $_tile_overlayer_lowered  }
0x9b: {  	s6 =	simm.s32 $0x1BFF;
	s21 =	sshll.u32 s5, $0x1;
	s3 =	sadd.s32 s20, s19  }
0x9c: {  	s22 =	simm.s32 $0x0;
	s4 =	sshll.u32 s4, $0x1;
	s5 =	sadd.s32 s21, s3  }
0x9d: {  	[timem:s22], [sflag:s6] =	dma.local [hbm:s5], s4  }
0x9e: {  	_ =	swait.ge [sflag:s6], s4  }
0x9f: {  	s4 =	ssub.s32 $0x0, s4;
	[sflag:s6] =	ssyncset.done $0x0  }
0xa0: {  	[sflag:s6] =	ssyncadd.s32 s4;
	_ =	sdelay $0x1  }
0xa1: {  	s23 =	simm.s32 $0x1B8B  }
0xa2: {  	_ =	swait.ge [sflag:s23], $0x1  }
0xa3: {  	[sflag:s23] =	ssyncset.done $0x0  }
0xa4: {  	[sflag:s23] =	ssyncadd.s32 $0xFFFFFFFF  }
0xa5: {  	s4 =	sld [smem:$0x0]  }
0xa6: {  	s5 =	sand.u32 $0xFFFFFFFE, s1  }
0xa7: {  	p0 =	sne.s32 s1, s5  }
0xa8: {  	s5 =	sshll.u32 @p0 s5, $0xE  }
0xa9: {  	s5 =	sadd.s32 @p0 $0x11B8D, s5;
	s6 =	sshll.u32 @p0 s4, $0x11  }
0xaa: {  	s5 =	sor.u32 @p0 s6, s5  }
0xab: {  	[sflag:s5] =	ssyncadd.remote.s32 @p0 $0x1;
	_ =	sdelay $0x1  }
0xac: {  	s5 =	simm.s32 @p0 $0x1B8D  }
0xad: {  	_ =	swait.eq @p0 [sflag:s5], $0x1  }
0xae: {  	[sflag:s5] =	ssyncadd.s32 @p0 $0xFFFFFFFF  }
0xaf: {  	s6 =	sshll.u32 @!p0 s1, $0xE  }
0xb0: {  	s6 =	sor.u32 @!p0 $0x4000, s6;
	s5 =	simm.s32 @!p0 $0x1B8D  }
0xb1: {  	s4 =	sshll.u32 @!p0 s4, $0x11;
	s6 =	sadd.s32 @!p0 $0x11B8D, s6;
	_ =	swait.eq @!p0 [sflag:s5], $0x1  }
0xb2: {  	s4 =	sor.u32 @!p0 s4, s6;
	[sflag:s5] =	ssyncadd.s32 @!p0 $0xFFFFFFFF  }
0xb3: {  	s25 =	simm.s32 $0x1B8E;
	s24 =	sld [smem:$0x3FFE];
	[sflag:s4] =	ssyncadd.remote.s32 @!p0 $0x1  }
0xb4: {  	s26 =	simm.s32 $execute0_lowered;
	[smem:$0x3FD2] =	sst s25  }
0xb5: {  	s5 =	sshll.u32 s26, $0x1;
	_ =	strace $0x8000004C;
	[dreg:$0x1] =	wrdreg $0xFFFFFFFF  }
0xb6: {  	s28 =	simm.s32 $_size_execute0_lowered;
	s3 =	sadd.s32 s3, s5;
	[dreg:$0x0] =	wrdreg $0x0  }
0xb7: {  	s5 =	sshll.u32 s28, $0x1;
	[dreg:$0x2] =	wrdreg s3  }
0xb8: {  	[dreg:$0x3] =	wrdreg s5  }
0xb9: {  	[dreg:$0x4] =	wrdreg $0xC0  }
0xba: {  	_ =	task [dreg:s22], $0x5FFFF  }
0xbb: {  	[dreg:$0x1] =	wrdreg $0xFFFFFFFF  }
0xbc: {  	[dreg:$0x0] =	wrdreg $0x60  }
0xbd: {  	[dreg:$0x2] =	wrdreg s24  }
0xbe: {  	[dreg:$0x3] =	wrdreg $0xB  }
0xbf: {  	_ =	task.clear_ibuf [dreg:s22], $0x4FFFF;
	_ =	strace $0x9000004C  }
0xc0: {  	s29 =	simm.s32 $0xB;
	_ =	strace $0x8000004E  }
0xc1: {  	_ =	swait.ge [sflag:s29], $0x1  }
0xc2: {  	[sflag:s29] =	ssyncadd.s32 $0xFFFFFFFF  }
0xc3: {  	_ =	strace $0x9000004E  }
0xc4: {  	_ =	sfence  }
0xc5: {  	s30 =	sld [smem:$0x0];
	_ =	sdelay $0x2  }
0xc6: {  	s31 =	sshll.u32 s1, $0xD;
	s1 =	sshrl.u32 s1, $0x2  }
0xc7: {  	s4 =	sand.u32 $0x4000, s31;
	s1 =	sadd.s32 s1, s30  }
0xc8: {  	s0 =	sor.u32 s4, s0;
	s1 =	sshll.u32 s1, $0x11  }
0xc9: {  	s0 =	sor.u32 s1, s0  }
0xca: {  	s0 =	sadd.s32 $0x8F2B, s0  }
0xcb: {  	[sflag:s0] =	ssyncadd.remote.s32 $0x1  }
0xcc: {  	_ =	sfence.sel $0xFFFF  }
0xcd: {  	[dreg:$0x0] =	wrdreg $0xFFFFFFFF;
	(pc) =	sbr.abs _section_cstart, $3  }
0xce: {  	[dreg:$0x1] =	wrdreg $0xFFFFFFFF  }
0xcf: {  	_ =	task.clear_ibuf [dreg:s22], $0x2FFFF;
	_ =	strace $0x9FFFFFFF  }
0xd0: {  	(tm) =	ssettm $0x7FFFFFFF  }
0xd1: {  	_ =	shalt  }
tec
execute0_lowered:
.L_overlay_start_1:
0x0: {  	(tag) =	ssettag $0x1  }
0x1: {  	s1 =	srdreg.scid  }
0x2: {  	s0 =	stileid.u32;
	s4 =	rddreg [dreg:$0x0];
	s2 =	simm.s32 $0x0  }
0x3: {  	s14 =	simm.s32 $0x1;
	s15 =	simm.s32 $0x2;
	s12 =	smul.u32 $0x30000, s0  }
0x4: {  	s16 =	simm.s32 $0x0;
	s7 =	sand.u32 $0x1, s1;
	s24 =	smul.u32 $0x180000, s0  }
0x5: {  	s3 =	sshll.u32 s0, $0x1;
	s1 =	rddreg [dreg:$0x1];
	s26 =	smul.u32 $0xC0000, s7  }
0x6: {  	[smem:$0x7FF] =	sst s2;
	s5 =	sor.u32 s7, s3;
	s13 =	smul.u32 $0x18000, s7  }
0x7: {  	s11 =	sadd.s32 $0x211000, s4;
	_ =	strace $0x8000004D;
	s6 =	smul.u32 $0x300, s5  }
0x8: {  	s3 =	sadd.s32 $0x4000, s4;
	s9 =	ssub.s32 $0x2, s7;
	s8 =	smul.u32 $0xC0000, s5  }
0x9: {  	s10 =	smul.u32 $0x18000, s5;
	s22 =	sshrl.u32 s9, $0x1;
	s29 =	sadd.s32 s12, s11  }
0xa: {  	s12 =	simm.s32 $0x1800;
	s23 =	ssub.s32 s9, s22;
	s30 =	sadd.s32 s13, s29  }
0xb: {  	s13 =	simm.s32 $0x5800;
	s6 =	sadd.s32 s6, s4;
	s8 =	sshrl.u32 s8, $0x3  }
0xc: {  	s5 =	smax.u32 s23, $0x1;
	s28 =	sadd.s32 s10, s11;
	s10 =	simm.s32 $0x3  }
0xd: {  	s4 =	sadd.s32 $0x20B000, s6;
	s25 =	sadd.s32 s11, s8;
	s8 =	sadd.s32 s26, s24  }
0xe: {  	s7 =	sadd.s32 $0x17800, s28;
	s6 =	sadd.s32 $0x17000, s25;
	s31 =	sshrl.u32 s8, $0x3  }
0xf: {  	s8 =	sadd.s32 $0x800, s30;
	s9 =	sadd.s32 s31, s11;
	s11 =	simm.s32 $0x80  }
.LBB2_1:
0x10: {  	[tilespmem:s2], [sflag:$0x3] =	stream.linear.gather [hbm4b:s4+s2], $0x1800, $0x38;
	[tilespmem:$0x9800] =	vst v63  }
0x11: {  	_ =	swait.ge [sflag:s10], $0x1800  }
0x12: {  	[sflag:s10] =	ssyncset.done $0x0  }
0x13: {  	[sflag:s10] =	ssyncadd.s32 $0xFFFFE800  }
0x14: {  	[tilespmem:s12], [sflag:$0x1] =	stream.indirect.gather [hbm4b:s3+s11], $0x80, s2, s11, $0xb8;
	[tilespmem:$0x9800] =	vst v63  }
0x15: {  	_ = 	snop  }
0x16: {  	[tilespmem:s13], [sflag:$0x2] =	stream.indirect.gather [hbm4b:s3+s11], $0x80, s11, s11, $0xb8;
	[tilespmem:$0x9800] =	vst v63  }
0x17: {  	_ =	swait.ge [sflag:s14], $0x4000  }
0x18: {  	[sflag:s14] =	ssyncset.done $0x0  }
0x19: {  	s17 =	sadd.s32 $0x0, s9;
	[sflag:s14] =	ssyncadd.s32 $0xFFFFC000  }
0x1a: {  	[hbm4b:s17+s2] =	stream.linear.scatter [tilespmem:s12], [sflag:$0x3], $0x4000, $0x38;
	[tilespmem:$0x9800] =	vst v63  }
0x1b: {  	_ =	swait.ge [sflag:s10], $0x4000  }
0x1c: {  	[sflag:s10] =	ssyncset.done $0x0  }
0x1d: {  	s30 =	simm.s32 $0x100;
	[sflag:s10] =	ssyncadd.s32 $0xFFFFC000  }
0x1e: {  	[tilespmem:s12], [sflag:$0x1] =	stream.indirect.gather [hbm4b:s3+s11], $0x80, s30, s11, $0xb8;
	[tilespmem:$0x9800] =	vst v63  }
0x1f: {  	_ =	swait.ge [sflag:s15], $0x4000  }
0x20: {  	[sflag:s15] =	ssyncset.done $0x0  }
0x21: {  	s31 =	sadd.s32 $0x0, s8;
	[sflag:s15] =	ssyncadd.s32 $0xFFFFC000  }
0x22: {  	[hbm4b:s31+s2] =	stream.linear.scatter [tilespmem:s13], [sflag:$0x3], $0x4000, $0x38;
	[tilespmem:$0x9800] =	vst v63  }
0x23: {  	_ =	swait.ge [sflag:s10], $0x4000  }
0x24: {  	s18 =	simm.s32 $0x1000;
	[sflag:s10] =	ssyncset.done $0x0  }
0x25: {  	s19 =	simm.s32 $0x280;
	s17 =	simm.s32 $0x180;
	[sflag:s10] =	ssyncadd.s32 $0xFFFFC000  }
.LBB2_2:
0x26: {  	[tilespmem:s13], [sflag:$0x2] =	stream.indirect.gather [hbm4b:s3+s11], $0x80, s17, s11, $0xb8;
	[tilespmem:$0x9800] =	vst v63  }
0x27: {  	s20 =	smov.u32 s18;
	s17 =	smov.u32 s19  }
0x28: {  	p0 =	sne.s32 s18, $0x16000;
	s18 =	sadd.s32 $0x1000, s18;
	_ =	swait.ge [sflag:s14], $0x4000  }
0x29: {  	[sflag:s14] =	ssyncset.done $0x0  }
0x2a: {  	s21 =	sadd.s32 s20, s9;
	[sflag:s14] =	ssyncadd.s32 $0xFFFFC000  }
0x2b: {  	[hbm4b:s21+s2] =	stream.linear.scatter [tilespmem:s12], [sflag:$0x3], $0x4000, $0x38;
	[tilespmem:$0x9800] =	vst v63  }
0x2c: {  	_ =	swait.ge [sflag:s10], $0x4000  }
0x2d: {  	[sflag:s10] =	ssyncset.done $0x0  }
0x2e: {  	s21 =	sadd.s32 $0xFFFFFF80, s19;
	[sflag:s10] =	ssyncadd.s32 $0xFFFFC000  }
0x2f: {  	[tilespmem:s12], [sflag:$0x1] =	stream.indirect.gather [hbm4b:s3+s11], $0x80, s21, s11, $0xb8;
	[tilespmem:$0x9800] =	vst v63  }
0x30: {  	_ =	swait.ge [sflag:s15], $0x4000  }
0x31: {  	[sflag:s15] =	ssyncset.done $0x0  }
.Ltmp0:
0x32: {  	s20 =	sadd.s32 s20, s8;
	[sflag:s15] =	ssyncadd.s32 $0xFFFFC000;
	(pc) =	sbr.rel @p0 .LBB2_2-.Ltmp0, $4  }
0x33: {  	[hbm4b:s20+s2] =	stream.linear.scatter [tilespmem:s13], [sflag:$0x3], $0x4000, $0x38;
	[tilespmem:$0x9800] =	vst v63  }
0x34: {  	_ =	swait.ge [sflag:s10], $0x4000  }
0x35: {  	[sflag:s10] =	ssyncset.done $0x0  }
0x36: {  	s19 =	sadd.s32 $0x100, s19;
	[sflag:s10] =	ssyncadd.s32 $0xFFFFC000  }
0x37: {  	[tilespmem:s13], [sflag:$0x2] =	stream.indirect.gather [hbm4b:s3+s11], $0x80, s17, s11, $0xb8;
	[tilespmem:$0x9800] =	vst v63  }
0x38: {  	_ =	swait.ge [sflag:s14], $0x4000  }
0x39: {  	[sflag:s14] =	ssyncset.done $0x0  }
0x3a: {  	[sflag:s14] =	ssyncadd.s32 $0xFFFFC000  }
0x3b: {  	[hbm4b:s6+s2] =	stream.linear.scatter [tilespmem:s12], [sflag:$0x3], $0x4000, $0x38;
	[tilespmem:$0x9800] =	vst v63  }
0x3c: {  	_ =	swait.ge [sflag:s10], $0x4000  }
0x3d: {  	[sflag:s10] =	ssyncset.done $0x0  }
0x3e: {  	[sflag:s10] =	ssyncadd.s32 $0xFFFFC000  }
0x3f: {  	s16 =	sadd.s32 $0x1, s16;
	_ =	swait.ge [sflag:s15], $0x4000  }
0x40: {  	p0 =	sne.s32 s16, s5;
	[sflag:s15] =	ssyncset.done $0x0  }
.Ltmp1:
0x41: {  	[sflag:s15] =	ssyncadd.s32 $0xFFFFC000;
	(pc) =	sbr.rel @p0 .LBB2_1-.Ltmp1, $4  }
0x42: {  	[hbm4b:s7+s2] =	stream.linear.scatter [tilespmem:s13], [sflag:$0x3], $0x4000, $0x38;
	[tilespmem:$0x9800] =	vst v63  }
0x43: {  	_ =	swait.ge [sflag:s10], $0x4000  }
0x44: {  	[sflag:s10] =	ssyncset.done $0x0  }
0x45: {  	[sflag:s10] =	ssyncadd.s32 $0xFFFFC000  }
0x46: {  	_ =	sfence.sel $0x180000  }
0x47: {  	[bflag:$0x0] =	sbarrier.arrive $0xFFFF  }
0x48: {  	p0 =	sne.s32 s0, $0x0;
	_ =	strace $0x9000004D  }
0x49: {  	s0 =	sadd.s32 @!p0 $0x100000, s1;
	[bflag:$0x2] =	sbarrier.arrive $0xFFFF  }
0x4a: {  	[sflag:s0] =	ssyncadd.tile.s32 @!p0 $0x1;
	_ =	shalt  }
.Lfunc_end2:
_tile_overlayer_lowered:
.L_overlay_start_2:
0x4b: {  	(tag) =	ssettag $0x2  }
0x4c: {  	s0 =	rddreg [dreg:$0x0];
	s2 =	stileid.u32  }
0x4d: {  	s1 =	rddreg [dreg:$0x1];
	p0 =	sne.s32 s2, $0x0  }
0x4e: {  	s3 =	rddreg [dreg:$0x2];
	[bflag:$0x3] =	sbarrier.arrive $0xFFFF;
	s2 =	simm.s32 @!p0 $0x1C03  }
0x4f: {  	[timem:s3], [sflag:s2] =	dma.local @!p0 [hbm:s0], s1  }
0x50: {  	s0 =	simm.s32 @!p0 $0x3  }
0x51: {  	_ =	swait.ge @!p0 [sflag:s0], s1  }
0x52: {  	s1 =	ssub.s32 @!p0 $0x0, s1;
	[sflag:s0] =	ssyncset.done @!p0 $0x0  }
0x53: {  	[sflag:s0] =	ssyncadd.s32 @!p0 s1  }
0x54: {  	[bflag:$0x3] =	sbarrier.arrive $0xFFFF  }
0x55: {  	_ =	shalt  }

// kernel: kernel.19.cloned.1.call-start
scs
__scs_entry_jumppad:
0x0: {  	(pc) =	sbr.rel $0x88, $3  }
0x1: {  	(tag) =	ssettag $0x0;
	lr =	simm.s32 $0x1  }
0x2: {  	[smem:$0x3F94] =	sst lr;
	_ =	strace $0xD0000000  }
0x3: {  	_ = 	snop  }
0x4: {  	_ = 	snop  }
0x5: {  	_ = 	snop  }
0x6: {  	_ = 	snop  }
0x7: {  	_ = 	snop  }
__scs_overlays_trampoline_lowered:
0x8: {  	[smem:$0x3FA3] =	sst s0  }
0x9: {  	[smem:$0x3FA4] =	sst s1  }
0xa: {  	[smem:$0x3FA5] =	sst s2  }
0xb: {  	[smem:$0x3FA6] =	sst s3  }
0xc: {  	[smem:$0x3FA7] =	sst s4  }
0xd: {  	[smem:$0x3FA8] =	sst s5  }
0xe: {  	[smem:$0x3FA9] =	sst s6  }
0xf: {  	[smem:$0x3FAA] =	sst s7  }
0x10: {  	[smem:$0x3FAB] =	sst s8  }
0x11: {  	[smem:$0x3FAC] =	sst s9;
	s0 =	simm.s32 @!p0 $0x0  }
0x12: {  	s1 =	sld [smem:$0x3F92];
	s0 =	simm.s32 @p0 $0x1  }
0x13: {  	[smem:$0x3FAD] =	sst s0;
	s0 =	simm.s32 @!p1 $0x0  }
0x14: {  	s2 =	sld [smem:$0x3F91];
	s0 =	simm.s32 @p1 $0x1  }
0x15: {  	[smem:$0x3FAE] =	sst s0;
	s0 =	simm.s32 @!p2 $0x0  }
0x16: {  	s3 =	sld [smem:$0x3FDB];
	s0 =	simm.s32 @p2 $0x1  }
0x17: {  	s4 =	simm.s32 $0x1BF5;
	[smem:$0x3FB0] =	sst s0  }
0x18: {  	s0 =	sld [smem:$0x3F93];
	_ =	swait.ge [sflag:s4], $0x0  }
0x19: {  	s7 =	sld [smem:$0x3F94]  }
0x1a: {  	s8 =	sadd.s32 $0xFFFFE003, lr  }
0x1b: {  	s9 =	sadd.s32 $0xFFFFFEF7, lr;
	s5 =	simm.s32 $0xFFFFFFFF;
	p2 =	slt.u32 s8, $0xFFFFF086  }
0x1c: {  	p1 =	slt.u32 s9, $0xF7A;
	s5 =	simm.s32 @!p2 $0x0  }
0x1d: {  	s5 =	simm.s32 @p1 $0x1;
	p0 =	seq.s32 s7, s2  }
0x1e: {  	s7 =	smul.u32 @!p0 $0xF7A, s2;
	p2 =	seq.s32 @!p0 s5, $0x0  }
0x1f: {  	s9 =	smul.u32 $0xF7A, s1;
	s8 =	simm.s32 @!p0 $0x1BF5;
	p2 =	por !p2, p0  }
0x20: {  	[sflag:s8] =	ssyncset.s32 @!p0 $0xFFFFF086;
	s6 =	sadd.s32 @!p0 s3, s7;
	s7 =	simm.s32 @!p0 $0x108  }
0x21: {  	s3 =	sadd.s32 s3, s9;
	s6 =	sadd.s32 @!p0 $0x88, s6;
	s7 =	simm.s32 @p2 $0x1082  }
0x22: {  	[simem:s7], [sflag:s8] =	dma.local @!p0 [hbm:s6], $0xF7A  }
0x23: {  	s9 =	sor.u32 $0xD0000000, s2;
	s6 =	simm.s32 $0x108;
	_ =	swait.ge @!p0 [sflag:s8], $0x0  }
0x24: {  	s3 =	sadd.s32 $0x88, s3;
	s6 =	simm.s32 @!p1 $0x1082;
	[sflag:s4] =	ssyncset.s32 $0xFFFFF086  }
0x25: {  	[simem:s6], [sflag:s4] =	dma.local [hbm:s3], $0xF7A  }
0x26: {  	[smem:$0x3F94] =	sst s1;
	(tag) =	ssettag s2;
	_ =	strace s9  }
0x27: {  	s1 =	sld [smem:$0x3FA4]  }
0x28: {  	s2 =	sld [smem:$0x3FA5]  }
0x29: {  	s4 =	sld [smem:$0x3FA7]  }
0x2a: {  	p0 =	seq.s32 s5, $0x0;
	s5 =	sld [smem:$0x3FA8]  }
0x2b: {  	s6 =	sld [smem:$0x3FA9]  }
0x2c: {  	s7 =	sld [smem:$0x3FAA]  }
0x2d: {  	s3 =	simm.s32 $0x108;
	s8 =	sld [smem:$0x3FAB]  }
0x2e: {  	s3 =	simm.s32 @!p0 $0x1082;
	s9 =	sld [smem:$0x3FAC]  }
0x2f: {  	lr =	sadd.s32 s0, s3;
	s0 =	sld [smem:$0x3FA3]  }
0x30: {  	s3 =	sld [smem:$0x3FA6]  }
0x31: {  	[smem:$0x3FAF] =	sst s10  }
0x32: {  	s10 =	sld [smem:$0x3FAD];
	_ =	sdelay $0x3  }
0x33: {  	p0 =	seq.s32 s10, $0x1;
	s10 =	sld [smem:$0x3FAF];
	_ =	sdelay $0x3  }
0x34: {  	[smem:$0x3FAF] =	sst s10  }
0x35: {  	s10 =	sld [smem:$0x3FAE];
	_ =	sdelay $0x3  }
0x36: {  	p1 =	seq.s32 s10, $0x1;
	s10 =	sld [smem:$0x3FAF];
	_ =	sdelay $0x3  }
0x37: {  	[smem:$0x3FAF] =	sst s10  }
0x38: {  	s10 =	sld [smem:$0x3FB0]  }
0x39: {  	_ = 	snop;
	(pc) =	sbr.ind lr, $3  }
0x3a: {  	_ = 	snop  }
0x3b: {  	_ = 	snop  }
0x3c: {  	p2 =	seq.s32 s10, $0x1;
	s10 =	sld [smem:$0x3FAF]  }
0x3d: {  	_ =	shalt  }
0x3e: {  	_ =	shalt  }
0x3f: {  	_ =	shalt  }
0x40: {  	_ =	shalt  }
0x41: {  	_ =	shalt  }
0x42: {  	_ =	shalt  }
0x43: {  	_ =	shalt  }
0x44: {  	_ =	shalt  }
0x45: {  	_ =	shalt  }
0x46: {  	_ =	shalt  }
0x47: {  	_ =	shalt  }
0x48: {  	_ =	shalt  }
0x49: {  	_ =	shalt  }
0x4a: {  	_ =	shalt  }
0x4b: {  	_ =	shalt  }
0x4c: {  	_ =	shalt  }
0x4d: {  	_ =	shalt  }
0x4e: {  	_ =	shalt  }
0x4f: {  	_ =	shalt  }
0x50: {  	_ =	shalt  }
0x51: {  	_ =	shalt  }
0x52: {  	_ =	shalt  }
0x53: {  	_ =	shalt  }
0x54: {  	_ =	shalt  }
0x55: {  	_ =	shalt  }
0x56: {  	_ =	shalt  }
0x57: {  	_ =	shalt  }
0x58: {  	_ =	shalt  }
0x59: {  	_ =	shalt  }
0x5a: {  	_ =	shalt  }
0x5b: {  	_ =	shalt  }
0x5c: {  	_ =	shalt  }
0x5d: {  	_ =	shalt  }
0x5e: {  	_ =	shalt  }
0x5f: {  	_ =	shalt  }
0x60: {  	_ =	shalt  }
0x61: {  	_ =	shalt  }
0x62: {  	_ =	shalt  }
0x63: {  	_ =	shalt  }
0x64: {  	_ =	shalt  }
0x65: {  	_ =	shalt  }
0x66: {  	_ =	shalt  }
0x67: {  	_ =	shalt  }
0x68: {  	_ =	shalt  }
0x69: {  	_ =	shalt  }
0x6a: {  	_ =	shalt  }
0x6b: {  	_ =	shalt  }
0x6c: {  	_ =	shalt  }
0x6d: {  	_ =	shalt  }
0x6e: {  	_ =	shalt  }
0x6f: {  	_ =	shalt  }
0x70: {  	_ =	shalt  }
0x71: {  	_ =	shalt  }
0x72: {  	_ =	shalt  }
0x73: {  	_ =	shalt  }
0x74: {  	_ =	shalt  }
0x75: {  	_ =	shalt  }
0x76: {  	_ =	shalt  }
0x77: {  	_ =	shalt  }
0x78: {  	_ =	shalt  }
0x79: {  	_ =	shalt  }
0x7a: {  	_ =	shalt  }
0x7b: {  	_ =	shalt  }
0x7c: {  	_ =	shalt  }
0x7d: {  	_ =	shalt  }
0x7e: {  	_ =	shalt  }
0x7f: {  	_ =	shalt  }
0x80: {  	_ =	shalt  }
0x81: {  	_ =	shalt  }
0x82: {  	_ =	shalt  }
0x83: {  	_ =	shalt  }
0x84: {  	_ =	shalt  }
0x85: {  	_ =	shalt  }
0x86: {  	_ =	shalt  }
0x87: {  	_ =	shalt  }
.Lfunc_end0:
.L_simem_size_0:
called_computation.3_lowered:
.L_overlay_start_0:
0x88: {  	s2 =	sld [smem:$0x3FD9]  }
0x89: {  	s3 =	sld [smem:$0x3FFE];
	_ =	sdelay $0x1  }
0x8a: {  	s1 =	srdreg.scid  }
0x8b: {  	s0 =	sand.u32 $0x1, s1  }
0x8c: {  	s17 =	sshll.u32 s0, $0xA;
	s2 =	sadd.s32 s3, s2  }
0x8d: {  	s2 =	sadd.s32 s2, s17  }
0x8e: {  	[smem:$0x3FBB] =	sst s2  }
0x8f: {  	_ = 	snop  }
0x90: {  	s18 =	sld [smem:$0x3FD0];
	(tm) =	ssettm $0x1  }
0x91: {  	s19 =	sld [smem:$0x3FFB];
	_ =	sdelay $0x3  }
0x92: {  	_ =	strace s19  }
0x93: {  	s2 =	sld [smem:$0x3FFC];
	_ =	sdelay $0x3  }
0x94: {  	_ =	strace s2  }
0x95: {  	s2 =	sld [smem:$0x3FFD];
	_ =	sdelay $0x3  }
0x96: {  	_ =	strace s2  }
0x97: {  	_ =	strace $0x8FFFFFFF  }
0x98: {  	s20 =	sld [smem:$0x3FDB];
	_ =	sdelay $0x1  }
0x99: {  	s4 =	simm.s32 $_scs_section_size  }
0x9a: {  	s5 =	simm.s32 $_size__tile_overlayer_lowered;
	s6 =	simm.s32 $_tile_overlayer_lowered  }
0x9b: {  	s7 =	simm.s32 $0x1BFF;
	s21 =	sshll.u32 s6, $0x1;
	s4 =	sadd.s32 s4, s20  }
0x9c: {  	s22 =	simm.s32 $0x0;
	s5 =	sshll.u32 s5, $0x1;
	s6 =	sadd.s32 s21, s4  }
0x9d: {  	[timem:s22], [sflag:s7] =	dma.local [hbm:s6], s5  }
0x9e: {  	_ =	swait.ge [sflag:s7], s5  }
0x9f: {  	s5 =	ssub.s32 $0x0, s5;
	[sflag:s7] =	ssyncset.done $0x0  }
0xa0: {  	[sflag:s7] =	ssyncadd.s32 s5;
	_ =	sdelay $0x1  }
0xa1: {  	s23 =	simm.s32 $0x1B8B  }
0xa2: {  	_ =	swait.ge [sflag:s23], $0x1  }
0xa3: {  	[sflag:s23] =	ssyncset.done $0x0  }
0xa4: {  	[sflag:s23] =	ssyncadd.s32 $0xFFFFFFFF  }
0xa5: {  	s5 =	sld [smem:$0x0]  }
0xa6: {  	s6 =	sand.u32 $0xFFFFFFFE, s1  }
0xa7: {  	p0 =	sne.s32 s1, s6  }
0xa8: {  	s6 =	sshll.u32 @p0 s6, $0xE  }
0xa9: {  	s6 =	sadd.s32 @p0 $0x11B8D, s6;
	s7 =	sshll.u32 @p0 s5, $0x11  }
0xaa: {  	s6 =	sor.u32 @p0 s7, s6  }
0xab: {  	[sflag:s6] =	ssyncadd.remote.s32 @p0 $0x1;
	_ =	sdelay $0x1  }
0xac: {  	s6 =	simm.s32 @p0 $0x1B8D  }
0xad: {  	_ =	swait.eq @p0 [sflag:s6], $0x1  }
0xae: {  	[sflag:s6] =	ssyncadd.s32 @p0 $0xFFFFFFFF  }
0xaf: {  	s7 =	sshll.u32 @!p0 s1, $0xE  }
0xb0: {  	s7 =	sor.u32 @!p0 $0x4000, s7;
	s6 =	simm.s32 @!p0 $0x1B8D  }
0xb1: {  	s5 =	sshll.u32 @!p0 s5, $0x11;
	s7 =	sadd.s32 @!p0 $0x11B8D, s7;
	_ =	swait.eq @!p0 [sflag:s6], $0x1  }
0xb2: {  	s5 =	sor.u32 @!p0 s5, s7;
	[sflag:s6] =	ssyncadd.s32 @!p0 $0xFFFFFFFF  }
0xb3: {  	s25 =	simm.s32 $0x1B8E;
	s24 =	sld [smem:$0x3FFE];
	[sflag:s5] =	ssyncadd.remote.s32 @!p0 $0x1  }
0xb4: {  	s26 =	simm.s32 $execute0_lowered;
	[smem:$0x3FD2] =	sst s25  }
0xb5: {  	s6 =	sshll.u32 s26, $0x1;
	_ =	strace $0x8000004F;
	[dreg:$0x1] =	wrdreg $0xFFFFFFFF  }
0xb6: {  	s28 =	simm.s32 $_size_execute0_lowered;
	s4 =	sadd.s32 s4, s6;
	[dreg:$0x0] =	wrdreg $0x0  }
0xb7: {  	s6 =	sshll.u32 s28, $0x1;
	[dreg:$0x2] =	wrdreg s4  }
0xb8: {  	[dreg:$0x3] =	wrdreg s6  }
0xb9: {  	[dreg:$0x4] =	wrdreg $0xC0  }
0xba: {  	_ =	task [dreg:s22], $0x5FFFF  }
0xbb: {  	[dreg:$0x1] =	wrdreg $0xFFFFFFFF  }
0xbc: {  	[dreg:$0x0] =	wrdreg $0x60  }
0xbd: {  	[dreg:$0x2] =	wrdreg s24  }
0xbe: {  	[dreg:$0x3] =	wrdreg s18  }
0xbf: {  	[dreg:$0x4] =	wrdreg $0xC  }
0xc0: {  	_ =	task.clear_ibuf [dreg:s22], $0x5FFFF;
	_ =	strace $0x9000004F  }
0xc1: {  	s29 =	simm.s32 $0xC;
	_ =	strace $0x80000051  }
0xc2: {  	_ =	swait.ge [sflag:s29], $0x1  }
0xc3: {  	[sflag:s29] =	ssyncadd.s32 $0xFFFFFFFF  }
0xc4: {  	_ =	strace $0x90000051  }
0xc5: {  	_ =	sfence  }
0xc6: {  	s30 =	sld [smem:$0x0];
	_ =	sdelay $0x2  }
0xc7: {  	s31 =	sshll.u32 s1, $0xD;
	s1 =	sshrl.u32 s1, $0x2  }
0xc8: {  	s4 =	sand.u32 $0x4000, s31;
	s1 =	sadd.s32 s1, s30  }
0xc9: {  	s0 =	sor.u32 s4, s0;
	s1 =	sshll.u32 s1, $0x11  }
0xca: {  	s0 =	sor.u32 s1, s0  }
0xcb: {  	s0 =	sadd.s32 $0x8F2B, s0  }
0xcc: {  	[sflag:s0] =	ssyncadd.remote.s32 $0x1  }
0xcd: {  	_ =	sfence.sel $0xFFFF  }
0xce: {  	[dreg:$0x0] =	wrdreg $0xFFFFFFFF;
	(pc) =	sbr.abs _section_cstart, $3  }
0xcf: {  	[dreg:$0x1] =	wrdreg $0xFFFFFFFF  }
0xd0: {  	_ =	task.clear_ibuf [dreg:s22], $0x2FFFF;
	_ =	strace $0x9FFFFFFF  }
0xd1: {  	(tm) =	ssettm $0x7FFFFFFF  }
tec
execute0_lowered:
.L_overlay_start_1:
0x0: {  	(tag) =	ssettag $0x1  }
0x1: {  	s4 =	rddreg [dreg:$0x0];
	s1 =	srdreg.scid  }
0x2: {  	s0 =	stileid.u32;
	s5 =	rddreg [dreg:$0x1]  }
0x3: {  	s2 =	simm.s32 $0x0;
	s14 =	simm.s32 $0x1;
	s13 =	smul.u32 $0x30000, s0  }
0x4: {  	s15 =	simm.s32 $0x2;
	s7 =	sand.u32 $0x1, s1;
	s25 =	smul.u32 $0x180000, s0  }
0x5: {  	s16 =	simm.s32 $0x0;
	s3 =	sshll.u32 s0, $0x1;
	s28 =	smul.u32 $0xC0000, s7  }
0x6: {  	s1 =	rddreg [dreg:$0x2];
	s6 =	sor.u32 s7, s3;
	s29 =	smul.u32 $0x18000, s7  }
0x7: {  	[smem:$0x7FF] =	sst s2;
	s12 =	sadd.s32 $0x511000, s4;
	s8 =	smul.u32 $0x300, s6  }
0x8: {  	_ =	strace $0x80000050;
	s10 =	ssub.s32 $0x2, s7;
	s9 =	smul.u32 $0xC0000, s6  }
0x9: {  	s3 =	sadd.s32 $0x4000, s4;
	s11 =	smul.u32 $0x18000, s6;
	s23 =	sshrl.u32 s10, $0x1  }
0xa: {  	s31 =	sadd.s32 s13, s12;
	s13 =	simm.s32 $0x5800;
	s24 =	ssub.s32 s10, s23  }
0xb: {  	s10 =	simm.s32 $0x3;
	s9 =	sshrl.u32 s9, $0x3;
	s4 =	sadd.s32 s5, s8  }
0xc: {  	s5 =	smax.u32 s24, $0x1;
	s30 =	sadd.s32 s11, s12;
	s8 =	sadd.s32 s29, s31  }
0xd: {  	s11 =	simm.s32 $0x80;
	s26 =	sadd.s32 s12, s9;
	s9 =	sadd.s32 s28, s25  }
0xe: {  	s7 =	sadd.s32 $0x17800, s30;
	s8 =	sadd.s32 $0x800, s8;
	s9 =	sshrl.u32 s9, $0x3  }
0xf: {  	s6 =	sadd.s32 $0x17000, s26;
	s9 =	sadd.s32 s9, s12;
	s12 =	simm.s32 $0x1800  }
.LBB2_1:
0x10: {  	[tilespmem:s2], [sflag:$0x3] =	stream.linear.gather [hbm4b:s4+s2], $0x1800, $0x38;
	[tilespmem:$0x9800] =	vst v63  }
0x11: {  	_ =	swait.ge [sflag:s10], $0x1800  }
0x12: {  	[sflag:s10] =	ssyncset.done $0x0  }
0x13: {  	[sflag:s10] =	ssyncadd.s32 $0xFFFFE800  }
0x14: {  	[tilespmem:s12], [sflag:$0x1] =	stream.indirect.gather [hbm4b:s3+s11], $0x80, s2, s11, $0xb8;
	[tilespmem:$0x9800] =	vst v63  }
0x15: {  	_ = 	snop  }
0x16: {  	[tilespmem:s13], [sflag:$0x2] =	stream.indirect.gather [hbm4b:s3+s11], $0x80, s11, s11, $0xb8;
	[tilespmem:$0x9800] =	vst v63  }
0x17: {  	_ =	swait.ge [sflag:s14], $0x4000  }
0x18: {  	[sflag:s14] =	ssyncset.done $0x0  }
0x19: {  	s17 =	sadd.s32 $0x0, s9;
	[sflag:s14] =	ssyncadd.s32 $0xFFFFC000  }
0x1a: {  	[hbm4b:s17+s2] =	stream.linear.scatter [tilespmem:s12], [sflag:$0x3], $0x4000, $0x38;
	[tilespmem:$0x9800] =	vst v63  }
0x1b: {  	_ =	swait.ge [sflag:s10], $0x4000  }
0x1c: {  	[sflag:s10] =	ssyncset.done $0x0  }
0x1d: {  	s30 =	simm.s32 $0x100;
	[sflag:s10] =	ssyncadd.s32 $0xFFFFC000  }
0x1e: {  	[tilespmem:s12], [sflag:$0x1] =	stream.indirect.gather [hbm4b:s3+s11], $0x80, s30, s11, $0xb8;
	[tilespmem:$0x9800] =	vst v63  }
0x1f: {  	_ =	swait.ge [sflag:s15], $0x4000  }
0x20: {  	[sflag:s15] =	ssyncset.done $0x0  }
0x21: {  	s31 =	sadd.s32 $0x0, s8;
	[sflag:s15] =	ssyncadd.s32 $0xFFFFC000  }
0x22: {  	[hbm4b:s31+s2] =	stream.linear.scatter [tilespmem:s13], [sflag:$0x3], $0x4000, $0x38;
	[tilespmem:$0x9800] =	vst v63  }
0x23: {  	_ =	swait.ge [sflag:s10], $0x4000  }
0x24: {  	s18 =	simm.s32 $0x1000;
	[sflag:s10] =	ssyncset.done $0x0  }
0x25: {  	s19 =	simm.s32 $0x280;
	s17 =	simm.s32 $0x180;
	[sflag:s10] =	ssyncadd.s32 $0xFFFFC000  }
.LBB2_2:
0x26: {  	[tilespmem:s13], [sflag:$0x2] =	stream.indirect.gather [hbm4b:s3+s11], $0x80, s17, s11, $0xb8;
	[tilespmem:$0x9800] =	vst v63  }
0x27: {  	s20 =	smov.u32 s18;
	s17 =	smov.u32 s19  }
0x28: {  	p0 =	sne.s32 s18, $0x16000;
	s18 =	sadd.s32 $0x1000, s18;
	_ =	swait.ge [sflag:s14], $0x4000  }
0x29: {  	[sflag:s14] =	ssyncset.done $0x0  }
0x2a: {  	s21 =	sadd.s32 s20, s9;
	[sflag:s14] =	ssyncadd.s32 $0xFFFFC000  }
0x2b: {  	[hbm4b:s21+s2] =	stream.linear.scatter [tilespmem:s12], [sflag:$0x3], $0x4000, $0x38;
	[tilespmem:$0x9800] =	vst v63  }
0x2c: {  	_ =	swait.ge [sflag:s10], $0x4000  }
0x2d: {  	[sflag:s10] =	ssyncset.done $0x0  }
0x2e: {  	s21 =	sadd.s32 $0xFFFFFF80, s19;
	[sflag:s10] =	ssyncadd.s32 $0xFFFFC000  }
0x2f: {  	[tilespmem:s12], [sflag:$0x1] =	stream.indirect.gather [hbm4b:s3+s11], $0x80, s21, s11, $0xb8;
	[tilespmem:$0x9800] =	vst v63  }
0x30: {  	_ =	swait.ge [sflag:s15], $0x4000  }
0x31: {  	[sflag:s15] =	ssyncset.done $0x0  }
.Ltmp0:
0x32: {  	s20 =	sadd.s32 s20, s8;
	[sflag:s15] =	ssyncadd.s32 $0xFFFFC000;
	(pc) =	sbr.rel @p0 .LBB2_2-.Ltmp0, $4  }
0x33: {  	[hbm4b:s20+s2] =	stream.linear.scatter [tilespmem:s13], [sflag:$0x3], $0x4000, $0x38;
	[tilespmem:$0x9800] =	vst v63  }
0x34: {  	_ =	swait.ge [sflag:s10], $0x4000  }
0x35: {  	[sflag:s10] =	ssyncset.done $0x0  }
0x36: {  	s19 =	sadd.s32 $0x100, s19;
	[sflag:s10] =	ssyncadd.s32 $0xFFFFC000  }
0x37: {  	[tilespmem:s13], [sflag:$0x2] =	stream.indirect.gather [hbm4b:s3+s11], $0x80, s17, s11, $0xb8;
	[tilespmem:$0x9800] =	vst v63  }
0x38: {  	_ =	swait.ge [sflag:s14], $0x4000  }
0x39: {  	[sflag:s14] =	ssyncset.done $0x0  }
0x3a: {  	[sflag:s14] =	ssyncadd.s32 $0xFFFFC000  }
0x3b: {  	[hbm4b:s6+s2] =	stream.linear.scatter [tilespmem:s12], [sflag:$0x3], $0x4000, $0x38;
	[tilespmem:$0x9800] =	vst v63  }
0x3c: {  	_ =	swait.ge [sflag:s10], $0x4000  }
0x3d: {  	[sflag:s10] =	ssyncset.done $0x0  }
0x3e: {  	[sflag:s10] =	ssyncadd.s32 $0xFFFFC000  }
0x3f: {  	s16 =	sadd.s32 $0x1, s16;
	_ =	swait.ge [sflag:s15], $0x4000  }
0x40: {  	p0 =	sne.s32 s16, s5;
	[sflag:s15] =	ssyncset.done $0x0  }
.Ltmp1:
0x41: {  	[sflag:s15] =	ssyncadd.s32 $0xFFFFC000;
	(pc) =	sbr.rel @p0 .LBB2_1-.Ltmp1, $4  }
0x42: {  	[hbm4b:s7+s2] =	stream.linear.scatter [tilespmem:s13], [sflag:$0x3], $0x4000, $0x38;
	[tilespmem:$0x9800] =	vst v63  }
0x43: {  	_ =	swait.ge [sflag:s10], $0x4000  }
0x44: {  	[sflag:s10] =	ssyncset.done $0x0  }
0x45: {  	[sflag:s10] =	ssyncadd.s32 $0xFFFFC000  }
0x46: {  	_ =	sfence.sel $0x180000  }
0x47: {  	[bflag:$0x0] =	sbarrier.arrive $0xFFFF  }
0x48: {  	p0 =	sne.s32 s0, $0x0;
	_ =	strace $0x90000050  }
0x49: {  	s0 =	sadd.s32 @!p0 $0x100000, s1;
	[bflag:$0x2] =	sbarrier.arrive $0xFFFF  }
0x4a: {  	[sflag:s0] =	ssyncadd.tile.s32 @!p0 $0x1;
	_ =	shalt  }
.Lfunc_end2:
_tile_overlayer_lowered:
.L_overlay_start_2:
0x4b: {  	(tag) =	ssettag $0x2  }
0x4c: {  	s0 =	rddreg [dreg:$0x0];
	s2 =	stileid.u32  }
0x4d: {  	s1 =	rddreg [dreg:$0x1];
	p0 =	sne.s32 s2, $0x0  }
0x4e: {  	s3 =	rddreg [dreg:$0x2];
	[bflag:$0x3] =	sbarrier.arrive $0xFFFF;
	s2 =	simm.s32 @!p0 $0x1C03  }
0x4f: {  	[timem:s3], [sflag:s2] =	dma.local @!p0 [hbm:s0], s1  }
0x50: {  	s0 =	simm.s32 @!p0 $0x3  }
0x51: {  	_ =	swait.ge @!p0 [sflag:s0], s1  }
0x52: {  	s1 =	ssub.s32 @!p0 $0x0, s1;
	[sflag:s0] =	ssyncset.done @!p0 $0x0  }
0x53: {  	[sflag:s0] =	ssyncadd.s32 @!p0 s1  }
0x54: {  	[bflag:$0x3] =	sbarrier.arrive $0xFFFF  }
0x55: {  	_ =	shalt  }

</sc_bundles>
